<compile_context>
chip_gen: v7x
topology: tpu7x:2x2x1
jax: 0.10.2.dev20260603
libtpu: 0.0.44.dev20260713+nightly
codegen_flags: <defaults>
</compile_context>

<pallas_src>
import jax
import jax.numpy as jnp
from jax import lax
from jax.experimental import pallas as pl
from jax.experimental.pallas import tpu as pltpu
from jax.experimental.pallas import tpu_sc as plsc

B = 4
N = 16384
NPOINT = 2048
NCORES = 2
NSUB = 16
WPB = 8
CHUNK = N // WPB
LANES = 16
NVREG = CHUNK // LANES
UNROLL = 4
BIG = 2**30
RECS = NSUB * LANES


def _fps_body(xs_hbm, ys_hbm, zs_hbm, out_hbm,
              xyz_ref, d_ref, out_buf, rec_ref, merge_ref, p0_ref, shared):
    c = lax.axis_index("c")
    s = lax.axis_index("s")
    lb = s // WPB
    k = s % WPB
    b = c * 2 + lb
    base = k * CHUNK

    pltpu.sync_copy(xs_hbm.at[b, pl.ds(base, CHUNK)],
                    xyz_ref.at[pl.ds(0, CHUNK)])
    pltpu.sync_copy(ys_hbm.at[b, pl.ds(base, CHUNK)],
                    xyz_ref.at[pl.ds(CHUNK, CHUNK)])
    pltpu.sync_copy(zs_hbm.at[b, pl.ds(base, CHUNK)],
                    xyz_ref.at[pl.ds(2 * CHUNK, CHUNK)])

    pltpu.sync_copy(xs_hbm.at[b, pl.ds(0, LANES)], p0_ref)
    p0x = p0_ref[...][0]
    pltpu.sync_copy(ys_hbm.at[b, pl.ds(0, LANES)], p0_ref)
    p0y = p0_ref[...][0]
    pltpu.sync_copy(zs_hbm.at[b, pl.ds(0, LANES)], p0_ref)
    p0z = p0_ref[...][0]

    init_v = jnp.full((LANES,), 1e10, jnp.float32)

    def init_body(j, _):
        d_ref[pl.ds(j * LANES, LANES)] = init_v
        return 0

    lax.fori_loop(0, NVREG, init_body, 0)

    lane = jax.lax.iota(jnp.int32, LANES)
    lane0 = lane == 0
    in_row = lane < WPB
    row_off = (lane & (WPB - 1)) * LANES
    win_pat = jnp.minimum(lane, 5)
    coord_pat = jnp.where(lane == 2, 0,
                jnp.where(lane == 3, CHUNK, 2 * CHUNK)).astype(jnp.int32)

    def scatter_scalar(ref, pos, val):
        plsc.store_scatter(ref, [jnp.full((LANES,), pos, jnp.int32)],
                           jnp.full((LANES,), val, ref.dtype), mask=lane0)

    @pl.when(k == 0)
    def _():
        scatter_scalar(out_buf, 0, jnp.int32(0))

    def outer(i, carry):
        lx, ly, lz = carry
        lxv = jnp.full((LANES,), lx, jnp.float32)
        lyv = jnp.full((LANES,), ly, jnp.float32)
        lzv = jnp.full((LANES,), lz, jnp.float32)

        vmax0 = jnp.full((LANES,), -1.0, jnp.float32)
        gbest0 = jnp.full((LANES,), BIG, jnp.int32)

        def scan(j, st):
            vmax, gbest = st
            xv = xyz_ref[pl.ds(j * LANES, LANES)]
            yv = xyz_ref[pl.ds(CHUNK + j * LANES, LANES)]
            zv = xyz_ref[pl.ds(2 * CHUNK + j * LANES, LANES)]
            dx = xv - lxv
            dy = yv - lyv
            dz = zv - lzv
            d = (dx * dx + dy * dy) + dz * dz
            sl = pl.ds(j * LANES, LANES)
            dn = jnp.minimum(d_ref[sl], d)
            d_ref[sl] = dn
            gcur = lane + (base + j * LANES)
            upd = (dn > vmax) | ((dn == vmax) & (gcur < gbest))
            vmax = jnp.where(upd, dn, vmax)
            gbest = jnp.where(upd, gcur, gbest)
            return vmax, gbest

        vmax, gbest = plsc.parallel_loop(
            0, NVREG, unroll=UNROLL, carry=(vmax0, gbest0))(scan)

        m = jnp.max(vmax)
        lidx = jnp.min(jnp.where(vmax == m, gbest, BIG))
        off = lidx - base
        coords = plsc.load_gather(
            xyz_ref, [coord_pat + jnp.full((LANES,), off, jnp.int32)])

        rec = jnp.where(lane == 0, m,
              jnp.where(lane == 1, lidx.astype(jnp.float32), coords))
        rec_ref[...] = rec

        p = (i & 1) * RECS
        pltpu.sync_copy(rec_ref, shared.at[pl.ds(p + s * LANES, LANES)])
        plsc.subcore_barrier()
        pltpu.sync_copy(shared.at[pl.ds(p + lb * (WPB * LANES), WPB * LANES)],
                        merge_ref)

        vals = plsc.load_gather(merge_ref, [row_off])
        mv = jnp.max(jnp.where(in_row, vals, -1.0))
        w = jnp.min(jnp.where(in_row & (vals == mv), row_off, BIG))
        win = plsc.load_gather(merge_ref,
                               [win_pat + jnp.full((LANES,), w, jnp.int32)])

        @pl.when(k == 0)
        def _():
            scatter_scalar(out_buf, i, win[1].astype(jnp.int32))

        return win[2], win[3], win[4]

    lax.fori_loop(1, NPOINT, outer, (p0x, p0y, p0z))

    @pl.when(k == 0)
    def _():
        pltpu.sync_copy(out_buf, out_hbm.at[b])


@jax.jit
def _fps(xs, ys, zs):
    mesh = plsc.VectorSubcoreMesh(core_axis_name="c", subcore_axis_name="s",
                                  num_cores=NCORES, num_subcores=NSUB)
    f = pl.kernel(
        _fps_body,
        out_type=jax.ShapeDtypeStruct((B, NPOINT), jnp.int32),
        mesh=mesh,
        compiler_params=pltpu.CompilerParams(needs_layout_passes=False),
        scratch_types=[
            pltpu.VMEM((3 * CHUNK,), jnp.float32),
            pltpu.VMEM((CHUNK,), jnp.float32),
            pltpu.VMEM((NPOINT,), jnp.int32),
            pltpu.VMEM((LANES,), jnp.float32),
            pltpu.VMEM((WPB * LANES,), jnp.float32),
            pltpu.VMEM((LANES,), jnp.float32),
            pltpu.VMEM_SHARED((2 * RECS,), jnp.float32),
        ],
    )
    return f(xs, ys, zs)


def kernel(points_xyz, features):
    del features
    xs = points_xyz[:, :, 0]
    ys = points_xyz[:, :, 1]
    zs = points_xyz[:, :, 2]
    return _fps(xs, ys, zs)

# --- scband reference (transcript-rebuilt; emitter-appended) ---
"""Pipeline reference for scband-points-sampler-v2-5892695130398 (READ-ONLY COPY).

The authoritative reference and input builder live on the scoring server;
editing this copy changes nothing except your own understanding.
"""

import jax
import jax.numpy as jnp
import numpy as np

NPOINT = 2048


def _furthest_point_sample(points, npoint):
    # points: [B, N, 3]. Mirrors CUDA furthest_point_sample: start at index 0,
    # iteratively pick the point with max min-distance to the chosen set.
    B, N, _ = points.shape

    def body(i, state):
        idxs, dists, last = state
        last_pt = jnp.take_along_axis(points, last[:, None, None], axis=1)  # [B,1,3]
        d = jnp.sum((points - last_pt) ** 2, axis=-1)  # [B,N]
        dists = jnp.minimum(dists, d)
        nxt = jnp.argmax(dists, axis=1).astype(jnp.int32)  # [B]
        idxs = idxs.at[:, i].set(nxt)
        return idxs, dists, nxt

    idxs0 = jnp.zeros((B, npoint), jnp.int32)  # idx[:,0] = 0
    dists0 = jnp.full((B, N), 1e10, dtype=jnp.float32)
    last0 = jnp.zeros((B,), jnp.int32)
    idxs, _, _ = jax.lax.fori_loop(1, npoint, body, (idxs0, dists0, last0))
    return idxs


def setup_inputs(seed: int = 0):
    key = jax.random.key(seed)
    k1, k2 = jax.random.split(key)
    points_xyz = jax.random.normal(k1, (4, 16384, 3), dtype=jnp.float32)
    features = jax.random.normal(k2, (4, 128, 16384), dtype=jnp.float32)
    return {"points_xyz": points_xyz, "features": features}


def reference(points_xyz, features):
    # Points_SamplerV2 with fps_mod_list=['D-FPS'], fps_sample_range_list=[-1]:
    # single D-FPS sampler over the whole point range; features unused by D-FPS.
    fps_idx = _furthest_point_sample(points_xyz, NPOINT)
    return fps_idx

if __name__ == "__main__":
    import jax
    _d = setup_inputs()
    print(jax.jit(kernel)(*tuple(_d.values())))

</pallas_src>

<mosaic_0001>
#map = affine_map<(d0, d1) -> (0, 0)>
module attributes {stable_mosaic.version = 14 : i64} {
  func.func @_fps_body(%arg0: i32, %arg1: i32, %arg2: memref<4x16384xf32, #tpu.memory_space<hbm>>, %arg3: memref<4x16384xf32, #tpu.memory_space<hbm>>, %arg4: memref<4x16384xf32, #tpu.memory_space<hbm>>, %arg5: memref<4x2048xi32, #tpu.memory_space<hbm>>, %arg6: memref<6144xf32, #tpu.memory_space<vmem>>, %arg7: memref<2048xf32, #tpu.memory_space<vmem>>, %arg8: memref<2048xi32, #tpu.memory_space<vmem>>, %arg9: memref<16xf32, #tpu.memory_space<vmem>>, %arg10: memref<128xf32, #tpu.memory_space<vmem>>, %arg11: memref<16xf32, #tpu.memory_space<vmem>>, %arg12: memref<512xf32, #tpu.memory_space<vmem_shared>>) attributes {dimension_semantics = [#tpu.dimension_semantics<core_parallel>, #tpu.dimension_semantics<subcore_parallel>], iteration_bounds = array<i64: 2, 16>, scalar_prefetch = 0 : i64, scratch_operands = 7 : i64, tpu.core_type = #tpu.core_type<sc_vector_subcore>, window_params = [{transform_indices = #map}, {transform_indices = #map}, {transform_indices = #map}, {transform_indices = #map}]} {
    %jit3A = arith.constant 8 : i32
    %div3A = arith.divsi %arg1, %jit3A : i32
    %sign3A = arith.constant 0 : i32
    %sign3A_0 = arith.cmpi sgt, %arg1, %sign3A : i32
    %sign3A_1 = arith.extui %sign3A_0 : i1 to i32
    %sign3A_2 = arith.constant 0 : i32
    %sign3A_3 = arith.cmpi slt, %arg1, %sign3A_2 : i32
    %sign3A_4 = arith.extui %sign3A_3 : i1 to i32
    %sign3A_5 = arith.subi %sign3A_1, %sign3A_4 : i32
    %sign3A_6 = arith.constant 0 : i32
    %sign3A_7 = arith.cmpi sgt, %jit3A, %sign3A_6 : i32
    %sign3A_8 = arith.extui %sign3A_7 : i1 to i32
    %sign3A_9 = arith.constant 0 : i32
    %sign3A_10 = arith.cmpi slt, %jit3A, %sign3A_9 : i32
    %sign3A_11 = arith.extui %sign3A_10 : i1 to i32
    %sign3A_12 = arith.subi %sign3A_8, %sign3A_11 : i32
    %ne3A = arith.cmpi ne, %sign3A_5, %sign3A_12 : i32
    %rem3A = arith.remsi %arg1, %jit3A : i32
    %ne3A_13 = arith.constant 0 : i32
    %ne3A_14 = arith.cmpi ne, %rem3A, %ne3A_13 : i32
    %and3A = arith.andi %ne3A, %ne3A_14 : i1
    %sub3A = arith.constant 1 : i32
    %sub3A_15 = arith.subi %div3A, %sub3A : i32
    %select_n3A = arith.select %and3A, %sub3A_15, %div3A : i32
    %jit3A_16 = arith.constant 8 : i32
    %eq3A = arith.constant 0 : i32
    %eq3A_17 = arith.cmpi eq, %jit3A_16, %eq3A : i32
    %jit3A_18 = arith.constant 1 : i32
    %select_n3A_19 = arith.select %eq3A_17, %jit3A_18, %jit3A_16 : i32
    %rem3A_20 = arith.remsi %arg1, %select_n3A_19 : i32
    %ne3A_21 = arith.constant 0 : i32
    %ne3A_22 = arith.cmpi ne, %rem3A_20, %ne3A_21 : i32
    %lt3A = arith.constant 0 : i32
    %lt3A_23 = arith.cmpi slt, %rem3A_20, %lt3A : i32
    %lt3A_24 = arith.constant 0 : i32
    %lt3A_25 = arith.cmpi slt, %select_n3A_19, %lt3A_24 : i32
    %ne3A_26 = arith.xori %lt3A_23, %lt3A_25 : i1
    %and3A_27 = arith.andi %ne3A_26, %ne3A_22 : i1
    %add3A = arith.addi %rem3A_20, %select_n3A_19 : i32
    %select_n3A_28 = arith.select %and3A_27, %add3A, %rem3A_20 : i32
    %mul3A = arith.constant 2 : i32
    %mul3A_29 = arith.muli %arg0, %mul3A : i32
    %add3A_30 = arith.addi %mul3A_29, %select_n3A : i32
    %mul3A_31 = arith.constant 2048 : i32
    %mul3A_32 = arith.muli %select_n3A_28, %mul3A_31 : i32
    "tpu.region"() ({
      %run_scoped3A = tpu.sem_alloc : memref<!tpu.dma_semaphore, #tpu.memory_space<semaphore_mem>>
      %dma_start3A = arith.constant 0 : i32
      %dma_start3A_91 = tpu.memref_slice %arg6[%dma_start3A] : memref<6144xf32, #tpu.memory_space<vmem>> -> memref<2048xf32, #tpu.memory_space<vmem>>
      %dma_start3A_92 = tpu.memref_slice %arg2[%add3A_30, %mul3A_32] : memref<4x16384xf32, #tpu.memory_space<hbm>> -> memref<1x2048xf32, #tpu.memory_space<hbm>>
      %dma_start3A_93 = tpu.memref_squeeze %dma_start3A_92 : memref<1x2048xf32, #tpu.memory_space<hbm>> -> memref<2048xf32, #tpu.memory_space<hbm>>
      %dma_start3A_94 = arith.constant 0 : i32
      %dma_start3A_95 = tpu.memref_slice %arg6[%dma_start3A_94] : memref<6144xf32, #tpu.memory_space<vmem>> -> memref<2048xf32, #tpu.memory_space<vmem>>
      %dma_start3A_96 = tpu.memref_slice %arg2[%add3A_30, %mul3A_32] : memref<4x16384xf32, #tpu.memory_space<hbm>> -> memref<1x2048xf32, #tpu.memory_space<hbm>>
      %dma_start3A_97 = tpu.memref_squeeze %dma_start3A_96 : memref<1x2048xf32, #tpu.memory_space<hbm>> -> memref<2048xf32, #tpu.memory_space<hbm>>
      tpu.enqueue_dma source(%dma_start3A_97 : memref<2048xf32, #tpu.memory_space<hbm>>) target(%dma_start3A_95 : memref<2048xf32, #tpu.memory_space<vmem>>) target_semaphore(%run_scoped3A : memref<!tpu.dma_semaphore, #tpu.memory_space<semaphore_mem>>)
      %dma_wait3A = arith.constant 0 : i32
      %dma_wait3A_98 = tpu.memref_slice %arg6[%dma_wait3A] : memref<6144xf32, #tpu.memory_space<vmem>> -> memref<2048xf32, #tpu.memory_space<vmem>>
      %dma_wait3A_99 = tpu.memref_slice %arg2[%add3A_30, %mul3A_32] : memref<4x16384xf32, #tpu.memory_space<hbm>> -> memref<1x2048xf32, #tpu.memory_space<hbm>>
      %dma_wait3A_100 = tpu.memref_squeeze %dma_wait3A_99 : memref<1x2048xf32, #tpu.memory_space<hbm>> -> memref<2048xf32, #tpu.memory_space<hbm>>
      %dma_wait3A_101 = arith.constant 0 : i32
      %dma_wait3A_102 = tpu.memref_slice %arg6[%dma_wait3A_101] : memref<6144xf32, #tpu.memory_space<vmem>> -> memref<2048xf32, #tpu.memory_space<vmem>>
      %dma_wait3A_103 = tpu.memref_slice %arg2[%add3A_30, %mul3A_32] : memref<4x16384xf32, #tpu.memory_space<hbm>> -> memref<1x2048xf32, #tpu.memory_space<hbm>>
      %dma_wait3A_104 = tpu.memref_squeeze %dma_wait3A_103 : memref<1x2048xf32, #tpu.memory_space<hbm>> -> memref<2048xf32, #tpu.memory_space<hbm>>
      tpu.wait_dma2 semaphore(%run_scoped3A : memref<!tpu.dma_semaphore, #tpu.memory_space<semaphore_mem>>) src(%dma_wait3A_104 : memref<2048xf32, #tpu.memory_space<hbm>>) dst(%dma_wait3A_102 : memref<2048xf32, #tpu.memory_space<vmem>>)
      tpu.yield
    }) : () -> ()
    "tpu.region"() ({
      %run_scoped3A = tpu.sem_alloc : memref<!tpu.dma_semaphore, #tpu.memory_space<semaphore_mem>>
      %dma_start3A = arith.constant 2048 : i32
      %dma_start3A_91 = tpu.memref_slice %arg6[%dma_start3A] : memref<6144xf32, #tpu.memory_space<vmem>> -> memref<2048xf32, #tpu.memory_space<vmem>>
      %dma_start3A_92 = tpu.memref_slice %arg3[%add3A_30, %mul3A_32] : memref<4x16384xf32, #tpu.memory_space<hbm>> -> memref<1x2048xf32, #tpu.memory_space<hbm>>
      %dma_start3A_93 = tpu.memref_squeeze %dma_start3A_92 : memref<1x2048xf32, #tpu.memory_space<hbm>> -> memref<2048xf32, #tpu.memory_space<hbm>>
      %dma_start3A_94 = arith.constant 2048 : i32
      %dma_start3A_95 = tpu.memref_slice %arg6[%dma_start3A_94] : memref<6144xf32, #tpu.memory_space<vmem>> -> memref<2048xf32, #tpu.memory_space<vmem>>
      %dma_start3A_96 = tpu.memref_slice %arg3[%add3A_30, %mul3A_32] : memref<4x16384xf32, #tpu.memory_space<hbm>> -> memref<1x2048xf32, #tpu.memory_space<hbm>>
      %dma_start3A_97 = tpu.memref_squeeze %dma_start3A_96 : memref<1x2048xf32, #tpu.memory_space<hbm>> -> memref<2048xf32, #tpu.memory_space<hbm>>
      tpu.enqueue_dma source(%dma_start3A_97 : memref<2048xf32, #tpu.memory_space<hbm>>) target(%dma_start3A_95 : memref<2048xf32, #tpu.memory_space<vmem>>) target_semaphore(%run_scoped3A : memref<!tpu.dma_semaphore, #tpu.memory_space<semaphore_mem>>)
      %dma_wait3A = arith.constant 2048 : i32
      %dma_wait3A_98 = tpu.memref_slice %arg6[%dma_wait3A] : memref<6144xf32, #tpu.memory_space<vmem>> -> memref<2048xf32, #tpu.memory_space<vmem>>
      %dma_wait3A_99 = tpu.memref_slice %arg3[%add3A_30, %mul3A_32] : memref<4x16384xf32, #tpu.memory_space<hbm>> -> memref<1x2048xf32, #tpu.memory_space<hbm>>
      %dma_wait3A_100 = tpu.memref_squeeze %dma_wait3A_99 : memref<1x2048xf32, #tpu.memory_space<hbm>> -> memref<2048xf32, #tpu.memory_space<hbm>>
      %dma_wait3A_101 = arith.constant 2048 : i32
      %dma_wait3A_102 = tpu.memref_slice %arg6[%dma_wait3A_101] : memref<6144xf32, #tpu.memory_space<vmem>> -> memref<2048xf32, #tpu.memory_space<vmem>>
      %dma_wait3A_103 = tpu.memref_slice %arg3[%add3A_30, %mul3A_32] : memref<4x16384xf32, #tpu.memory_space<hbm>> -> memref<1x2048xf32, #tpu.memory_space<hbm>>
      %dma_wait3A_104 = tpu.memref_squeeze %dma_wait3A_103 : memref<1x2048xf32, #tpu.memory_space<hbm>> -> memref<2048xf32, #tpu.memory_space<hbm>>
      tpu.wait_dma2 semaphore(%run_scoped3A : memref<!tpu.dma_semaphore, #tpu.memory_space<semaphore_mem>>) src(%dma_wait3A_104 : memref<2048xf32, #tpu.memory_space<hbm>>) dst(%dma_wait3A_102 : memref<2048xf32, #tpu.memory_space<vmem>>)
      tpu.yield
    }) : () -> ()
    "tpu.region"() ({
      %run_scoped3A = tpu.sem_alloc : memref<!tpu.dma_semaphore, #tpu.memory_space<semaphore_mem>>
      %dma_start3A = arith.constant 4096 : i32
      %dma_start3A_91 = tpu.memref_slice %arg6[%dma_start3A] : memref<6144xf32, #tpu.memory_space<vmem>> -> memref<2048xf32, #tpu.memory_space<vmem>>
      %dma_start3A_92 = tpu.memref_slice %arg4[%add3A_30, %mul3A_32] : memref<4x16384xf32, #tpu.memory_space<hbm>> -> memref<1x2048xf32, #tpu.memory_space<hbm>>
      %dma_start3A_93 = tpu.memref_squeeze %dma_start3A_92 : memref<1x2048xf32, #tpu.memory_space<hbm>> -> memref<2048xf32, #tpu.memory_space<hbm>>
      %dma_start3A_94 = arith.constant 4096 : i32
      %dma_start3A_95 = tpu.memref_slice %arg6[%dma_start3A_94] : memref<6144xf32, #tpu.memory_space<vmem>> -> memref<2048xf32, #tpu.memory_space<vmem>>
      %dma_start3A_96 = tpu.memref_slice %arg4[%add3A_30, %mul3A_32] : memref<4x16384xf32, #tpu.memory_space<hbm>> -> memref<1x2048xf32, #tpu.memory_space<hbm>>
      %dma_start3A_97 = tpu.memref_squeeze %dma_start3A_96 : memref<1x2048xf32, #tpu.memory_space<hbm>> -> memref<2048xf32, #tpu.memory_space<hbm>>
      tpu.enqueue_dma source(%dma_start3A_97 : memref<2048xf32, #tpu.memory_space<hbm>>) target(%dma_start3A_95 : memref<2048xf32, #tpu.memory_space<vmem>>) target_semaphore(%run_scoped3A : memref<!tpu.dma_semaphore, #tpu.memory_space<semaphore_mem>>)
      %dma_wait3A = arith.constant 4096 : i32
      %dma_wait3A_98 = tpu.memref_slice %arg6[%dma_wait3A] : memref<6144xf32, #tpu.memory_space<vmem>> -> memref<2048xf32, #tpu.memory_space<vmem>>
      %dma_wait3A_99 = tpu.memref_slice %arg4[%add3A_30, %mul3A_32] : memref<4x16384xf32, #tpu.memory_space<hbm>> -> memref<1x2048xf32, #tpu.memory_space<hbm>>
      %dma_wait3A_100 = tpu.memref_squeeze %dma_wait3A_99 : memref<1x2048xf32, #tpu.memory_space<hbm>> -> memref<2048xf32, #tpu.memory_space<hbm>>
      %dma_wait3A_101 = arith.constant 4096 : i32
      %dma_wait3A_102 = tpu.memref_slice %arg6[%dma_wait3A_101] : memref<6144xf32, #tpu.memory_space<vmem>> -> memref<2048xf32, #tpu.memory_space<vmem>>
      %dma_wait3A_103 = tpu.memref_slice %arg4[%add3A_30, %mul3A_32] : memref<4x16384xf32, #tpu.memory_space<hbm>> -> memref<1x2048xf32, #tpu.memory_space<hbm>>
      %dma_wait3A_104 = tpu.memref_squeeze %dma_wait3A_103 : memref<1x2048xf32, #tpu.memory_space<hbm>> -> memref<2048xf32, #tpu.memory_space<hbm>>
      tpu.wait_dma2 semaphore(%run_scoped3A : memref<!tpu.dma_semaphore, #tpu.memory_space<semaphore_mem>>) src(%dma_wait3A_104 : memref<2048xf32, #tpu.memory_space<hbm>>) dst(%dma_wait3A_102 : memref<2048xf32, #tpu.memory_space<vmem>>)
      tpu.yield
    }) : () -> ()
    "tpu.region"() ({
      %run_scoped3A = tpu.sem_alloc : memref<!tpu.dma_semaphore, #tpu.memory_space<semaphore_mem>>
      %dma_start3A = arith.constant 0 : i32
      %dma_start3A_91 = tpu.memref_slice %arg2[%add3A_30, %dma_start3A] : memref<4x16384xf32, #tpu.memory_space<hbm>> -> memref<1x16xf32, #tpu.memory_space<hbm>>
      %dma_start3A_92 = tpu.memref_squeeze %dma_start3A_91 : memref<1x16xf32, #tpu.memory_space<hbm>> -> memref<16xf32, #tpu.memory_space<hbm>>
      %dma_start3A_93 = arith.constant 0 : i32
      %dma_start3A_94 = tpu.memref_slice %arg2[%add3A_30, %dma_start3A_93] : memref<4x16384xf32, #tpu.memory_space<hbm>> -> memref<1x16xf32, #tpu.memory_space<hbm>>
      %dma_start3A_95 = tpu.memref_squeeze %dma_start3A_94 : memref<1x16xf32, #tpu.memory_space<hbm>> -> memref<16xf32, #tpu.memory_space<hbm>>
      tpu.enqueue_dma source(%dma_start3A_95 : memref<16xf32, #tpu.memory_space<hbm>>) target(%arg11 : memref<16xf32, #tpu.memory_space<vmem>>) target_semaphore(%run_scoped3A : memref<!tpu.dma_semaphore, #tpu.memory_space<semaphore_mem>>)
      %dma_wait3A = arith.constant 0 : i32
      %dma_wait3A_96 = tpu.memref_slice %arg2[%add3A_30, %dma_wait3A] : memref<4x16384xf32, #tpu.memory_space<hbm>> -> memref<1x16xf32, #tpu.memory_space<hbm>>
      %dma_wait3A_97 = tpu.memref_squeeze %dma_wait3A_96 : memref<1x16xf32, #tpu.memory_space<hbm>> -> memref<16xf32, #tpu.memory_space<hbm>>
      %dma_wait3A_98 = arith.constant 0 : i32
      %dma_wait3A_99 = tpu.memref_slice %arg2[%add3A_30, %dma_wait3A_98] : memref<4x16384xf32, #tpu.memory_space<hbm>> -> memref<1x16xf32, #tpu.memory_space<hbm>>
      %dma_wait3A_100 = tpu.memref_squeeze %dma_wait3A_99 : memref<1x16xf32, #tpu.memory_space<hbm>> -> memref<16xf32, #tpu.memory_space<hbm>>
      tpu.wait_dma2 semaphore(%run_scoped3A : memref<!tpu.dma_semaphore, #tpu.memory_space<semaphore_mem>>) src(%dma_wait3A_100 : memref<16xf32, #tpu.memory_space<hbm>>) dst(%arg11 : memref<16xf32, #tpu.memory_space<vmem>>)
      tpu.yield
    }) : () -> ()
    %get3A = arith.constant 0 : index
    %get3A_33 = tpu.vector_load %arg11[%get3A] {strides = array<i32>} : memref<16xf32, #tpu.memory_space<vmem>>, vector<16xf32>,
    %slice3A = vector.extract_strided_slice %get3A_33 {offsets = [0], sizes = [1], strides = [1]} : vector<16xf32> to vector<1xf32>
    %squeeze3A = vector.extract %slice3A[0] : f32 from vector<1xf32>
    "tpu.region"() ({
      %run_scoped3A = tpu.sem_alloc : memref<!tpu.dma_semaphore, #tpu.memory_space<semaphore_mem>>
      %dma_start3A = arith.constant 0 : i32
      %dma_start3A_91 = tpu.memref_slice %arg3[%add3A_30, %dma_start3A] : memref<4x16384xf32, #tpu.memory_space<hbm>> -> memref<1x16xf32, #tpu.memory_space<hbm>>
      %dma_start3A_92 = tpu.memref_squeeze %dma_start3A_91 : memref<1x16xf32, #tpu.memory_space<hbm>> -> memref<16xf32, #tpu.memory_space<hbm>>
      %dma_start3A_93 = arith.constant 0 : i32
      %dma_start3A_94 = tpu.memref_slice %arg3[%add3A_30, %dma_start3A_93] : memref<4x16384xf32, #tpu.memory_space<hbm>> -> memref<1x16xf32, #tpu.memory_space<hbm>>
      %dma_start3A_95 = tpu.memref_squeeze %dma_start3A_94 : memref<1x16xf32, #tpu.memory_space<hbm>> -> memref<16xf32, #tpu.memory_space<hbm>>
      tpu.enqueue_dma source(%dma_start3A_95 : memref<16xf32, #tpu.memory_space<hbm>>) target(%arg11 : memref<16xf32, #tpu.memory_space<vmem>>) target_semaphore(%run_scoped3A : memref<!tpu.dma_semaphore, #tpu.memory_space<semaphore_mem>>)
      %dma_wait3A = arith.constant 0 : i32
      %dma_wait3A_96 = tpu.memref_slice %arg3[%add3A_30, %dma_wait3A] : memref<4x16384xf32, #tpu.memory_space<hbm>> -> memref<1x16xf32, #tpu.memory_space<hbm>>
      %dma_wait3A_97 = tpu.memref_squeeze %dma_wait3A_96 : memref<1x16xf32, #tpu.memory_space<hbm>> -> memref<16xf32, #tpu.memory_space<hbm>>
      %dma_wait3A_98 = arith.constant 0 : i32
      %dma_wait3A_99 = tpu.memref_slice %arg3[%add3A_30, %dma_wait3A_98] : memref<4x16384xf32, #tpu.memory_space<hbm>> -> memref<1x16xf32, #tpu.memory_space<hbm>>
      %dma_wait3A_100 = tpu.memref_squeeze %dma_wait3A_99 : memref<1x16xf32, #tpu.memory_space<hbm>> -> memref<16xf32, #tpu.memory_space<hbm>>
      tpu.wait_dma2 semaphore(%run_scoped3A : memref<!tpu.dma_semaphore, #tpu.memory_space<semaphore_mem>>) src(%dma_wait3A_100 : memref<16xf32, #tpu.memory_space<hbm>>) dst(%arg11 : memref<16xf32, #tpu.memory_space<vmem>>)
      tpu.yield
    }) : () -> ()
    %get3A_34 = arith.constant 0 : index
    %get3A_35 = tpu.vector_load %arg11[%get3A_34] {strides = array<i32>} : memref<16xf32, #tpu.memory_space<vmem>>, vector<16xf32>,
    %slice3A_36 = vector.extract_strided_slice %get3A_35 {offsets = [0], sizes = [1], strides = [1]} : vector<16xf32> to vector<1xf32>
    %squeeze3A_37 = vector.extract %slice3A_36[0] : f32 from vector<1xf32>
    "tpu.region"() ({
      %run_scoped3A = tpu.sem_alloc : memref<!tpu.dma_semaphore, #tpu.memory_space<semaphore_mem>>
      %dma_start3A = arith.constant 0 : i32
      %dma_start3A_91 = tpu.memref_slice %arg4[%add3A_30, %dma_start3A] : memref<4x16384xf32, #tpu.memory_space<hbm>> -> memref<1x16xf32, #tpu.memory_space<hbm>>
      %dma_start3A_92 = tpu.memref_squeeze %dma_start3A_91 : memref<1x16xf32, #tpu.memory_space<hbm>> -> memref<16xf32, #tpu.memory_space<hbm>>
      %dma_start3A_93 = arith.constant 0 : i32
      %dma_start3A_94 = tpu.memref_slice %arg4[%add3A_30, %dma_start3A_93] : memref<4x16384xf32, #tpu.memory_space<hbm>> -> memref<1x16xf32, #tpu.memory_space<hbm>>
      %dma_start3A_95 = tpu.memref_squeeze %dma_start3A_94 : memref<1x16xf32, #tpu.memory_space<hbm>> -> memref<16xf32, #tpu.memory_space<hbm>>
      tpu.enqueue_dma source(%dma_start3A_95 : memref<16xf32, #tpu.memory_space<hbm>>) target(%arg11 : memref<16xf32, #tpu.memory_space<vmem>>) target_semaphore(%run_scoped3A : memref<!tpu.dma_semaphore, #tpu.memory_space<semaphore_mem>>)
      %dma_wait3A = arith.constant 0 : i32
      %dma_wait3A_96 = tpu.memref_slice %arg4[%add3A_30, %dma_wait3A] : memref<4x16384xf32, #tpu.memory_space<hbm>> -> memref<1x16xf32, #tpu.memory_space<hbm>>
      %dma_wait3A_97 = tpu.memref_squeeze %dma_wait3A_96 : memref<1x16xf32, #tpu.memory_space<hbm>> -> memref<16xf32, #tpu.memory_space<hbm>>
      %dma_wait3A_98 = arith.constant 0 : i32
      %dma_wait3A_99 = tpu.memref_slice %arg4[%add3A_30, %dma_wait3A_98] : memref<4x16384xf32, #tpu.memory_space<hbm>> -> memref<1x16xf32, #tpu.memory_space<hbm>>
      %dma_wait3A_100 = tpu.memref_squeeze %dma_wait3A_99 : memref<1x16xf32, #tpu.memory_space<hbm>> -> memref<16xf32, #tpu.memory_space<hbm>>
      tpu.wait_dma2 semaphore(%run_scoped3A : memref<!tpu.dma_semaphore, #tpu.memory_space<semaphore_mem>>) src(%dma_wait3A_100 : memref<16xf32, #tpu.memory_space<hbm>>) dst(%arg11 : memref<16xf32, #tpu.memory_space<vmem>>)
      tpu.yield
    }) : () -> ()
    %get3A_38 = arith.constant 0 : index
    %get3A_39 = tpu.vector_load %arg11[%get3A_38] {strides = array<i32>} : memref<16xf32, #tpu.memory_space<vmem>>, vector<16xf32>,
    %slice3A_40 = vector.extract_strided_slice %get3A_39 {offsets = [0], sizes = [1], strides = [1]} : vector<16xf32> to vector<1xf32>
    %squeeze3A_41 = vector.extract %slice3A_40[0] : f32 from vector<1xf32>
    %broadcast_in_dim3A = arith.constant 1.000000e+10 : f32
    %broadcast_in_dim3A_42 = vector.broadcast %broadcast_in_dim3A : f32 to vector<16xf32>
    %scan3A = arith.constant 0 : i32
    %scan3A_43 = arith.constant 0 : i32
    %scan3A_44 = arith.constant 128 : i32
    %scan3A_45 = arith.addi %scan3A_43, %scan3A_44 : i32
    %scan3A_46 = arith.constant 1 : i32
    %scan3A_47 = scf.for %scan3A_91 = %scan3A_43 to %scan3A_45 step %scan3A_46 iter_args(%scan3A_92 = %scan3A) -> (i32)  : i32 {
      %mul3A_93 = arith.constant 16 : i32
      %mul3A_94 = arith.muli %scan3A_91, %mul3A_93 : i32
      %swap3A = arith.index_cast %mul3A_94 : i32 to index
      %swap3A_95 = tpu.vector_load %arg7[%swap3A] {strides = array<i32>} : memref<2048xf32, #tpu.memory_space<vmem>>, vector<16xf32>,
      tpu.vector_store %arg7[%swap3A], %broadcast_in_dim3A_42 {strides = array<i32>} : memref<2048xf32, #tpu.memory_space<vmem>>, vector<16xf32>,
      %scan3A_96 = arith.constant 0 : i32
      scf.yield %scan3A_96 : i32
    }
    %scan3A_48 = arith.constant 128 : i32
    %iota3A = tpu.iota {dimensions = array<i32: 0>} : vector<16xi32>
    %eq3A_49 = arith.constant 0 : i32
    %eq3A_50 = vector.broadcast %eq3A_49 : i32 to vector<16xi32>
    %eq3A_51 = arith.cmpi eq, %iota3A, %eq3A_50 : vector<16xi32>
    %lt3A_52 = arith.constant 8 : i32
    %lt3A_53 = vector.broadcast %lt3A_52 : i32 to vector<16xi32>
    %lt3A_54 = arith.cmpi slt, %iota3A, %lt3A_53 : vector<16xi32>
    %and3A_55 = arith.constant 7 : i32
    %and3A_56 = vector.broadcast %and3A_55 : i32 to vector<16xi32>
    %and3A_57 = arith.andi %iota3A, %and3A_56 : vector<16xi32>
    %mul3A_58 = arith.constant 16 : i32
    %mul3A_59 = vector.broadcast %mul3A_58 : i32 to vector<16xi32>
    %mul3A_60 = arith.muli %and3A_57, %mul3A_59 : vector<16xi32>
    %min3A = arith.constant 5 : i32
    %min3A_61 = vector.broadcast %min3A : i32 to vector<16xi32>
    %min3A_62 = arith.minsi %iota3A, %min3A_61 : vector<16xi32>
    %eq3A_63 = arith.constant 2 : i32
    %eq3A_64 = vector.broadcast %eq3A_63 : i32 to vector<16xi32>
    %eq3A_65 = arith.cmpi eq, %iota3A, %eq3A_64 : vector<16xi32>
    %eq3A_66 = arith.constant 3 : i32
    %eq3A_67 = vector.broadcast %eq3A_66 : i32 to vector<16xi32>
    %eq3A_68 = arith.cmpi eq, %iota3A, %eq3A_67 : vector<16xi32>
    %jit3A_69 = arith.constant 2048 : i32
    %jit3A_70 = arith.constant 4096 : i32
    %broadcast_in_dim3A_71 = vector.broadcast %jit3A_69 : i32 to vector<16xi32>
    %broadcast_in_dim3A_72 = vector.broadcast %jit3A_70 : i32 to vector<16xi32>
    %select_n3A_73 = arith.select %eq3A_68, %broadcast_in_dim3A_71, %broadcast_in_dim3A_72 : vector<16xi1>, vector<16xi32>
    %jit3A_74 = arith.constant 0 : i32
    %broadcast_in_dim3A_75 = vector.broadcast %jit3A_74 : i32 to vector<16xi32>
    %select_n3A_76 = arith.select %eq3A_65, %broadcast_in_dim3A_75, %select_n3A_73 : vector<16xi1>, vector<16xi32>
    %eq3A_77 = arith.constant 0 : i32
    %eq3A_78 = arith.cmpi eq, %select_n3A_28, %eq3A_77 : i32
    %convert_element_type3A = arith.extui %eq3A_78 : i1 to i32
    %cond3A = arith.constant 0 : i32
    %cond3A_79 = arith.cmpi ne, %convert_element_type3A, %cond3A : i32
    scf.if %cond3A_79 {
      %broadcast_in_dim3A_91 = arith.constant 0 : i32
      %broadcast_in_dim3A_92 = vector.broadcast %broadcast_in_dim3A_91 : i32 to vector<16xi32>
      %broadcast_in_dim3A_93 = arith.constant 0 : i32
      %broadcast_in_dim3A_94 = vector.broadcast %broadcast_in_dim3A_93 : i32 to vector<16xi32>
      tpu.vector_store_idx %arg8[%broadcast_in_dim3A_92], %broadcast_in_dim3A_94 masked %eq3A_51 : memref<2048xi32, #tpu.memory_space<vmem>>[vector<16xi32>], vector<16xi32>, vector<16xi1>
    } else {
    }
    %scan3A_80 = arith.constant 1 : i32
    %scan3A_81 = arith.constant 2047 : i32
    %scan3A_82 = arith.addi %scan3A_80, %scan3A_81 : i32
    %scan3A_83 = arith.constant 1 : i32
    %scan3A_84:3 = scf.for %scan3A_91 = %scan3A_80 to %scan3A_82 step %scan3A_83 iter_args(%scan3A_92 = %squeeze3A, %scan3A_93 = %squeeze3A_37, %scan3A_94 = %squeeze3A_41) -> (f32, f32, f32)  : i32 {
      %broadcast_in_dim3A_95 = vector.broadcast %scan3A_92 : f32 to vector<16xf32>
      %broadcast_in_dim3A_96 = vector.broadcast %scan3A_93 : f32 to vector<16xf32>
      %broadcast_in_dim3A_97 = vector.broadcast %scan3A_94 : f32 to vector<16xf32>
      %broadcast_in_dim3A_98 = arith.constant -1.000000e+00 : f32
      %broadcast_in_dim3A_99 = vector.broadcast %broadcast_in_dim3A_98 : f32 to vector<16xf32>
      %broadcast_in_dim3A_100 = arith.constant 1073741824 : i32
      %broadcast_in_dim3A_101 = vector.broadcast %broadcast_in_dim3A_100 : i32 to vector<16xi32>
      %parallel_loop3A = arith.constant 0 : i32
      %parallel_loop3A_102 = arith.constant 128 : i32
      %parallel_loop3A_103 = arith.constant 1 : i32
      %parallel_loop3A_104:2 = scf.for %parallel_loop3A_181 = %parallel_loop3A to %parallel_loop3A_102 step %parallel_loop3A_103 iter_args(%parallel_loop3A_182 = %broadcast_in_dim3A_99, %parallel_loop3A_183 = %broadcast_in_dim3A_101) -> (vector<16xf32>, vector<16xi32>)  : i32 {
        %parallel_loop3A_184 = arith.constant 16 : i32
        %parallel_loop3A_185 = arith.muli %parallel_loop3A_181, %parallel_loop3A_184 : i32
        %parallel_loop3A_186 = arith.index_cast %parallel_loop3A_185 : i32 to index
        %parallel_loop3A_187 = tpu.vector_load %arg6[%parallel_loop3A_186] {strides = array<i32>} : memref<6144xf32, #tpu.memory_space<vmem>>, vector<16xf32>,
        %parallel_loop3A_188 = arith.constant 16 : i32
        %parallel_loop3A_189 = arith.muli %parallel_loop3A_181, %parallel_loop3A_188 : i32
        %parallel_loop3A_190 = arith.constant 2048 : i32
        %parallel_loop3A_191 = arith.addi %parallel_loop3A_190, %parallel_loop3A_189 : i32
        %parallel_loop3A_192 = arith.index_cast %parallel_loop3A_191 : i32 to index
        %parallel_loop3A_193 = tpu.vector_load %arg6[%parallel_loop3A_192] {strides = array<i32>} : memref<6144xf32, #tpu.memory_space<vmem>>, vector<16xf32>,
        %parallel_loop3A_194 = arith.constant 16 : i32
        %parallel_loop3A_195 = arith.muli %parallel_loop3A_181, %parallel_loop3A_194 : i32
        %parallel_loop3A_196 = arith.constant 4096 : i32
        %parallel_loop3A_197 = arith.addi %parallel_loop3A_196, %parallel_loop3A_195 : i32
        %parallel_loop3A_198 = arith.index_cast %parallel_loop3A_197 : i32 to index
        %parallel_loop3A_199 = tpu.vector_load %arg6[%parallel_loop3A_198] {strides = array<i32>} : memref<6144xf32, #tpu.memory_space<vmem>>, vector<16xf32>,
        %parallel_loop3A_200 = arith.subf %parallel_loop3A_187, %broadcast_in_dim3A_95 : vector<16xf32>
        %parallel_loop3A_201 = arith.subf %parallel_loop3A_193, %broadcast_in_dim3A_96 : vector<16xf32>
        %parallel_loop3A_202 = arith.subf %parallel_loop3A_199, %broadcast_in_dim3A_97 : vector<16xf32>
        %parallel_loop3A_203 = arith.mulf %parallel_loop3A_200, %parallel_loop3A_200 : vector<16xf32>
        %parallel_loop3A_204 = arith.mulf %parallel_loop3A_201, %parallel_loop3A_201 : vector<16xf32>
        %parallel_loop3A_205 = arith.addf %parallel_loop3A_203, %parallel_loop3A_204 : vector<16xf32>
        %parallel_loop3A_206 = arith.mulf %parallel_loop3A_202, %parallel_loop3A_202 : vector<16xf32>
        %parallel_loop3A_207 = arith.addf %parallel_loop3A_205, %parallel_loop3A_206 : vector<16xf32>
        %parallel_loop3A_208 = arith.constant 16 : i32
        %parallel_loop3A_209 = arith.muli %parallel_loop3A_181, %parallel_loop3A_208 : i32
        %parallel_loop3A_210 = arith.index_cast %parallel_loop3A_209 : i32 to index
        %parallel_loop3A_211 = tpu.vector_load %arg7[%parallel_loop3A_210] {strides = array<i32>} : memref<2048xf32, #tpu.memory_space<vmem>>, vector<16xf32>,
        %parallel_loop3A_212 = arith.minimumf %parallel_loop3A_211, %parallel_loop3A_207 : vector<16xf32>
        %parallel_loop3A_213 = arith.index_cast %parallel_loop3A_209 : i32 to index
        %parallel_loop3A_214 = tpu.vector_load %arg7[%parallel_loop3A_213] {strides = array<i32>} : memref<2048xf32, #tpu.memory_space<vmem>>, vector<16xf32>,
        tpu.vector_store %arg7[%parallel_loop3A_213], %parallel_loop3A_212 {strides = array<i32>} : memref<2048xf32, #tpu.memory_space<vmem>>, vector<16xf32>,
        %parallel_loop3A_215 = arith.constant 16 : i32
        %parallel_loop3A_216 = arith.muli %parallel_loop3A_181, %parallel_loop3A_215 : i32
        %parallel_loop3A_217 = arith.addi %mul3A_32, %parallel_loop3A_216 : i32
        %parallel_loop3A_218 = vector.broadcast %parallel_loop3A_217 : i32 to vector<16xi32>
        %parallel_loop3A_219 = arith.addi %iota3A, %parallel_loop3A_218 : vector<16xi32>
        %parallel_loop3A_220 = arith.cmpf ogt, %parallel_loop3A_212, %parallel_loop3A_182 : vector<16xf32>
        %parallel_loop3A_221 = arith.cmpf oeq, %parallel_loop3A_212, %parallel_loop3A_182 : vector<16xf32>
        %parallel_loop3A_222 = arith.cmpi slt, %parallel_loop3A_219, %parallel_loop3A_183 : vector<16xi32>
        %parallel_loop3A_223 = arith.andi %parallel_loop3A_221, %parallel_loop3A_222 : vector<16xi1>
        %parallel_loop3A_224 = arith.ori %parallel_loop3A_220, %parallel_loop3A_223 : vector<16xi1>
        %parallel_loop3A_225 = arith.select %parallel_loop3A_224, %parallel_loop3A_212, %parallel_loop3A_182 : vector<16xi1>, vector<16xf32>
        %parallel_loop3A_226 = arith.select %parallel_loop3A_224, %parallel_loop3A_219, %parallel_loop3A_183 : vector<16xi1>, vector<16xi32>
        scf.yield %parallel_loop3A_225, %parallel_loop3A_226 : vector<16xf32>, vector<16xi32>
      } {sc.loop_unroll_factor = 4 : i64, sc.parallel_access}
      %reduce_max3A = arith.constant true
      %reduce_max3A_105 = vector.broadcast %reduce_max3A : i1 to vector<16xi1>
      %reduce_max3A_106 = tpu.scan <max>, %parallel_loop3A_104#0 masked %reduce_max3A_105 : vector<16xf32>, vector<16xi1> -> vector<16xf32>
      %reduce_max3A_107 = vector.extract %reduce_max3A_106[15] : f32 from vector<16xf32>
      %eq3A_108 = vector.broadcast %reduce_max3A_107 : f32 to vector<16xf32>
      %eq3A_109 = arith.cmpf oeq, %parallel_loop3A_104#0, %eq3A_108 : vector<16xf32>
      %jit3A_110 = arith.constant 1073741824 : i32
      %broadcast_in_dim3A_111 = vector.broadcast %jit3A_110 : i32 to vector<16xi32>
      %select_n3A_112 = arith.select %eq3A_109, %parallel_loop3A_104#1, %broadcast_in_dim3A_111 : vector<16xi1>, vector<16xi32>
      %reduce_min3A = arith.constant true
      %reduce_min3A_113 = vector.broadcast %reduce_min3A : i1 to vector<16xi1>
      %reduce_min3A_114 = arith.constant -2147483648 : i32
      %reduce_min3A_115 = vector.broadcast %reduce_min3A_114 : i32 to vector<16xi32>
      %reduce_min3A_116 = arith.xori %select_n3A_112, %reduce_min3A_115 : vector<16xi32>
      %reduce_min3A_117 = tpu.scan <min>, %reduce_min3A_116 masked %reduce_min3A_113 : vector<16xi32>, vector<16xi1> -> vector<16xi32>
      %reduce_min3A_118 = arith.xori %reduce_min3A_117, %reduce_min3A_115 : vector<16xi32>
      %reduce_min3A_119 = vector.extract %reduce_min3A_118[15] : i32 from vector<16xi32>
      %sub3A_120 = arith.subi %reduce_min3A_119, %mul3A_32 : i32
      %broadcast_in_dim3A_121 = vector.broadcast %sub3A_120 : i32 to vector<16xi32>
      %add3A_122 = arith.addi %select_n3A_76, %broadcast_in_dim3A_121 : vector<16xi32>
      %gather3A = tpu.vector_load_idx %arg6[%add3A_122] : memref<6144xf32, #tpu.memory_space<vmem>>[vector<16xi32>], vector<16xf32>,
      %eq3A_123 = arith.constant 0 : i32
      %eq3A_124 = vector.broadcast %eq3A_123 : i32 to vector<16xi32>
      %eq3A_125 = arith.cmpi eq, %iota3A, %eq3A_124 : vector<16xi32>
      %eq3A_126 = arith.constant 1 : i32
      %eq3A_127 = vector.broadcast %eq3A_126 : i32 to vector<16xi32>
      %eq3A_128 = arith.cmpi eq, %iota3A, %eq3A_127 : vector<16xi32>
      %convert_element_type3A_129 = arith.sitofp %reduce_min3A_119 : i32 to f32
      %broadcast_in_dim3A_130 = vector.broadcast %convert_element_type3A_129 : f32 to vector<16xf32>
      %select_n3A_131 = arith.select %eq3A_128, %broadcast_in_dim3A_130, %gather3A : vector<16xi1>, vector<16xf32>
      %broadcast_in_dim3A_132 = vector.broadcast %reduce_max3A_107 : f32 to vector<16xf32>
      %select_n3A_133 = arith.select %eq3A_125, %broadcast_in_dim3A_132, %select_n3A_131 : vector<16xi1>, vector<16xf32>
      %swap3A = arith.constant 0 : index
      %swap3A_134 = tpu.vector_load %arg9[%swap3A] {strides = array<i32>} : memref<16xf32, #tpu.memory_space<vmem>>, vector<16xf32>,
      tpu.vector_store %arg9[%swap3A], %select_n3A_133 {strides = array<i32>} : memref<16xf32, #tpu.memory_space<vmem>>, vector<16xf32>,
      %and3A_135 = arith.constant 1 : i32
      %and3A_136 = arith.andi %scan3A_91, %and3A_135 : i32
      %mul3A_137 = arith.constant 256 : i32
      %mul3A_138 = arith.muli %and3A_136, %mul3A_137 : i32
      %mul3A_139 = arith.constant 16 : i32
      %mul3A_140 = arith.muli %arg1, %mul3A_139 : i32
      %add3A_141 = arith.addi %mul3A_138, %mul3A_140 : i32
      "tpu.region"() ({
        %run_scoped3A = tpu.sem_alloc : memref<!tpu.dma_semaphore, #tpu.memory_space<semaphore_mem>>
        %dma_start3A = tpu.memref_slice %arg12[%add3A_141] : memref<512xf32, #tpu.memory_space<vmem_shared>> -> memref<16xf32, #tpu.memory_space<vmem_shared>>
        %dma_start3A_181 = tpu.memref_slice %arg12[%add3A_141] : memref<512xf32, #tpu.memory_space<vmem_shared>> -> memref<16xf32, #tpu.memory_space<vmem_shared>>
        tpu.enqueue_dma source(%arg9 : memref<16xf32, #tpu.memory_space<vmem>>) target(%dma_start3A_181 : memref<16xf32, #tpu.memory_space<vmem_shared>>) target_semaphore(%run_scoped3A : memref<!tpu.dma_semaphore, #tpu.memory_space<semaphore_mem>>)
        %dma_wait3A = tpu.memref_slice %arg12[%add3A_141] : memref<512xf32, #tpu.memory_space<vmem_shared>> -> memref<16xf32, #tpu.memory_space<vmem_shared>>
        %dma_wait3A_182 = tpu.memref_slice %arg12[%add3A_141] : memref<512xf32, #tpu.memory_space<vmem_shared>> -> memref<16xf32, #tpu.memory_space<vmem_shared>>
        tpu.wait_dma2 semaphore(%run_scoped3A : memref<!tpu.dma_semaphore, #tpu.memory_space<semaphore_mem>>) src(%arg9 : memref<16xf32, #tpu.memory_space<vmem>>) dst(%dma_wait3A_182 : memref<16xf32, #tpu.memory_space<vmem_shared>>)
        tpu.yield
      }) : () -> ()
      %barrier3A = arith.constant 0 : index
      tpu.barrier barrier_id(%barrier3A)
      %mul3A_142 = arith.constant 128 : i32
      %mul3A_143 = arith.muli %select_n3A, %mul3A_142 : i32
      %add3A_144 = arith.addi %mul3A_138, %mul3A_143 : i32
      "tpu.region"() ({
        %run_scoped3A = tpu.sem_alloc : memref<!tpu.dma_semaphore, #tpu.memory_space<semaphore_mem>>
        %dma_start3A = tpu.memref_slice %arg12[%add3A_144] : memref<512xf32, #tpu.memory_space<vmem_shared>> -> memref<128xf32, #tpu.memory_space<vmem_shared>>
        %dma_start3A_181 = tpu.memref_slice %arg12[%add3A_144] : memref<512xf32, #tpu.memory_space<vmem_shared>> -> memref<128xf32, #tpu.memory_space<vmem_shared>>
        tpu.enqueue_dma source(%dma_start3A_181 : memref<128xf32, #tpu.memory_space<vmem_shared>>) target(%arg10 : memref<128xf32, #tpu.memory_space<vmem>>) target_semaphore(%run_scoped3A : memref<!tpu.dma_semaphore, #tpu.memory_space<semaphore_mem>>)
        %dma_wait3A = tpu.memref_slice %arg12[%add3A_144] : memref<512xf32, #tpu.memory_space<vmem_shared>> -> memref<128xf32, #tpu.memory_space<vmem_shared>>
        %dma_wait3A_182 = tpu.memref_slice %arg12[%add3A_144] : memref<512xf32, #tpu.memory_space<vmem_shared>> -> memref<128xf32, #tpu.memory_space<vmem_shared>>
        tpu.wait_dma2 semaphore(%run_scoped3A : memref<!tpu.dma_semaphore, #tpu.memory_space<semaphore_mem>>) src(%dma_wait3A_182 : memref<128xf32, #tpu.memory_space<vmem_shared>>) dst(%arg10 : memref<128xf32, #tpu.memory_space<vmem>>)
        tpu.yield
      }) : () -> ()
      %gather3A_145 = tpu.vector_load_idx %arg10[%mul3A_60] : memref<128xf32, #tpu.memory_space<vmem>>[vector<16xi32>], vector<16xf32>,
      %jit3A_146 = arith.constant -1.000000e+00 : f32
      %broadcast_in_dim3A_147 = vector.broadcast %jit3A_146 : f32 to vector<16xf32>
      %select_n3A_148 = arith.select %lt3A_54, %gather3A_145, %broadcast_in_dim3A_147 : vector<16xi1>, vector<16xf32>
      %reduce_max3A_149 = arith.constant true
      %reduce_max3A_150 = vector.broadcast %reduce_max3A_149 : i1 to vector<16xi1>
      %reduce_max3A_151 = tpu.scan <max>, %select_n3A_148 masked %reduce_max3A_150 : vector<16xf32>, vector<16xi1> -> vector<16xf32>
      %reduce_max3A_152 = vector.extract %reduce_max3A_151[15] : f32 from vector<16xf32>
      %eq3A_153 = vector.broadcast %reduce_max3A_152 : f32 to vector<16xf32>
      %eq3A_154 = arith.cmpf oeq, %gather3A_145, %eq3A_153 : vector<16xf32>
      %and3A_155 = arith.andi %lt3A_54, %eq3A_154 : vector<16xi1>
      %jit3A_156 = arith.constant 1073741824 : i32
      %broadcast_in_dim3A_157 = vector.broadcast %jit3A_156 : i32 to vector<16xi32>
      %select_n3A_158 = arith.select %and3A_155, %mul3A_60, %broadcast_in_dim3A_157 : vector<16xi1>, vector<16xi32>
      %reduce_min3A_159 = arith.constant true
      %reduce_min3A_160 = vector.broadcast %reduce_min3A_159 : i1 to vector<16xi1>
      %reduce_min3A_161 = arith.constant -2147483648 : i32
      %reduce_min3A_162 = vector.broadcast %reduce_min3A_161 : i32 to vector<16xi32>
      %reduce_min3A_163 = arith.xori %select_n3A_158, %reduce_min3A_162 : vector<16xi32>
      %reduce_min3A_164 = tpu.scan <min>, %reduce_min3A_163 masked %reduce_min3A_160 : vector<16xi32>, vector<16xi1> -> vector<16xi32>
      %reduce_min3A_165 = arith.xori %reduce_min3A_164, %reduce_min3A_162 : vector<16xi32>
      %reduce_min3A_166 = vector.extract %reduce_min3A_165[15] : i32 from vector<16xi32>
      %broadcast_in_dim3A_167 = vector.broadcast %reduce_min3A_166 : i32 to vector<16xi32>
      %add3A_168 = arith.addi %min3A_62, %broadcast_in_dim3A_167 : vector<16xi32>
      %gather3A_169 = tpu.vector_load_idx %arg10[%add3A_168] : memref<128xf32, #tpu.memory_space<vmem>>[vector<16xi32>], vector<16xf32>,
      %eq3A_170 = arith.constant 0 : i32
      %eq3A_171 = arith.cmpi eq, %select_n3A_28, %eq3A_170 : i32
      %convert_element_type3A_172 = arith.extui %eq3A_171 : i1 to i32
      %cond3A_173 = arith.constant 0 : i32
      %cond3A_174 = arith.cmpi ne, %convert_element_type3A_172, %cond3A_173 : i32
      scf.if %cond3A_174 {
        %slice3A_181 = vector.extract_strided_slice %gather3A_169 {offsets = [1], sizes = [1], strides = [1]} : vector<16xf32> to vector<1xf32>
        %squeeze3A_182 = vector.extract %slice3A_181[0] : f32 from vector<1xf32>
        %convert_element_type3A_183 = arith.fptosi %squeeze3A_182 : f32 to i32
        %broadcast_in_dim3A_184 = vector.broadcast %scan3A_91 : i32 to vector<16xi32>
        %broadcast_in_dim3A_185 = vector.broadcast %convert_element_type3A_183 : i32 to vector<16xi32>
        tpu.vector_store_idx %arg8[%broadcast_in_dim3A_184], %broadcast_in_dim3A_185 masked %eq3A_51 : memref<2048xi32, #tpu.memory_space<vmem>>[vector<16xi32>], vector<16xi32>, vector<16xi1>
      } else {
      }
      %slice3A_175 = vector.extract_strided_slice %gather3A_169 {offsets = [2], sizes = [1], strides = [1]} : vector<16xf32> to vector<1xf32>
      %squeeze3A_176 = vector.extract %slice3A_175[0] : f32 from vector<1xf32>
      %slice3A_177 = vector.extract_strided_slice %gather3A_169 {offsets = [3], sizes = [1], strides = [1]} : vector<16xf32> to vector<1xf32>
      %squeeze3A_178 = vector.extract %slice3A_177[0] : f32 from vector<1xf32>
      %slice3A_179 = vector.extract_strided_slice %gather3A_169 {offsets = [4], sizes = [1], strides = [1]} : vector<16xf32> to vector<1xf32>
      %squeeze3A_180 = vector.extract %slice3A_179[0] : f32 from vector<1xf32>
      scf.yield %squeeze3A_176, %squeeze3A_178, %squeeze3A_180 : f32, f32, f32
    }
    %scan3A_85 = arith.constant 2047 : i32
    %eq3A_86 = arith.constant 0 : i32
    %eq3A_87 = arith.cmpi eq, %select_n3A_28, %eq3A_86 : i32
    %convert_element_type3A_88 = arith.extui %eq3A_87 : i1 to i32
    %cond3A_89 = arith.constant 0 : i32
    %cond3A_90 = arith.cmpi ne, %convert_element_type3A_88, %cond3A_89 : i32
    scf.if %cond3A_90 {
      "tpu.region"() ({
        %run_scoped3A = tpu.sem_alloc : memref<!tpu.dma_semaphore, #tpu.memory_space<semaphore_mem>>
        %dma_start3A = arith.constant 0 : i32
        %dma_start3A_91 = tpu.memref_slice %arg5[%add3A_30, %dma_start3A] : memref<4x2048xi32, #tpu.memory_space<hbm>> -> memref<1x2048xi32, #tpu.memory_space<hbm>>
        %dma_start3A_92 = tpu.memref_squeeze %dma_start3A_91 : memref<1x2048xi32, #tpu.memory_space<hbm>> -> memref<2048xi32, #tpu.memory_space<hbm>>
        %dma_start3A_93 = arith.constant 0 : i32
        %dma_start3A_94 = tpu.memref_slice %arg5[%add3A_30, %dma_start3A_93] : memref<4x2048xi32, #tpu.memory_space<hbm>> -> memref<1x2048xi32, #tpu.memory_space<hbm>>
        %dma_start3A_95 = tpu.memref_squeeze %dma_start3A_94 : memref<1x2048xi32, #tpu.memory_space<hbm>> -> memref<2048xi32, #tpu.memory_space<hbm>>
        tpu.enqueue_dma source(%arg8 : memref<2048xi32, #tpu.memory_space<vmem>>) target(%dma_start3A_95 : memref<2048xi32, #tpu.memory_space<hbm>>) target_semaphore(%run_scoped3A : memref<!tpu.dma_semaphore, #tpu.memory_space<semaphore_mem>>)
        %dma_wait3A = arith.constant 0 : i32
        %dma_wait3A_96 = tpu.memref_slice %arg5[%add3A_30, %dma_wait3A] : memref<4x2048xi32, #tpu.memory_space<hbm>> -> memref<1x2048xi32, #tpu.memory_space<hbm>>
        %dma_wait3A_97 = tpu.memref_squeeze %dma_wait3A_96 : memref<1x2048xi32, #tpu.memory_space<hbm>> -> memref<2048xi32, #tpu.memory_space<hbm>>
        %dma_wait3A_98 = arith.constant 0 : i32
        %dma_wait3A_99 = tpu.memref_slice %arg5[%add3A_30, %dma_wait3A_98] : memref<4x2048xi32, #tpu.memory_space<hbm>> -> memref<1x2048xi32, #tpu.memory_space<hbm>>
        %dma_wait3A_100 = tpu.memref_squeeze %dma_wait3A_99 : memref<1x2048xi32, #tpu.memory_space<hbm>> -> memref<2048xi32, #tpu.memory_space<hbm>>
        tpu.wait_dma2 semaphore(%run_scoped3A : memref<!tpu.dma_semaphore, #tpu.memory_space<semaphore_mem>>) src(%arg8 : memref<2048xi32, #tpu.memory_space<vmem>>) dst(%dma_wait3A_100 : memref<2048xi32, #tpu.memory_space<hbm>>)
        tpu.yield
      }) : () -> ()
    } else {
    }
    return
  }
}

</mosaic_0001>

<sc_bundles>
// kernel: _fps.3.cloned.1.call-start
scs
__scs_entry_jumppad:
0x0: {  	(pc) =	sbr.rel $0x88, $3  }
0x1: {  	(tag) =	ssettag $0x0;
	lr =	simm.s32 $0x1  }
0x2: {  	[smem:$0x3F9E] =	sst lr;
	_ =	strace $0xD0000000  }
0x3: {  	_ = 	snop  }
0x4: {  	_ = 	snop  }
0x5: {  	_ = 	snop  }
0x6: {  	_ = 	snop  }
0x7: {  	_ = 	snop  }
__scs_overlays_trampoline_lowered:
0x8: {  	[smem:$0x3FAD] =	sst s0  }
0x9: {  	[smem:$0x3FAE] =	sst s1  }
0xa: {  	[smem:$0x3FAF] =	sst s2  }
0xb: {  	[smem:$0x3FB0] =	sst s3  }
0xc: {  	[smem:$0x3FB1] =	sst s4  }
0xd: {  	[smem:$0x3FB2] =	sst s5  }
0xe: {  	[smem:$0x3FB3] =	sst s6  }
0xf: {  	[smem:$0x3FB4] =	sst s7  }
0x10: {  	[smem:$0x3FB5] =	sst s8  }
0x11: {  	[smem:$0x3FB6] =	sst s9;
	s0 =	simm.s32 @!p0 $0x0  }
0x12: {  	s1 =	sld [smem:$0x3F9C];
	s0 =	simm.s32 @p0 $0x1  }
0x13: {  	[smem:$0x3FB7] =	sst s0;
	s0 =	simm.s32 @!p1 $0x0  }
0x14: {  	s2 =	sld [smem:$0x3F9B];
	s0 =	simm.s32 @p1 $0x1  }
0x15: {  	[smem:$0x3FB8] =	sst s0;
	s0 =	simm.s32 @!p2 $0x0  }
0x16: {  	s3 =	sld [smem:$0x3FDB];
	s0 =	simm.s32 @p2 $0x1  }
0x17: {  	s4 =	simm.s32 $0x1BF5;
	[smem:$0x3FBA] =	sst s0  }
0x18: {  	s0 =	sld [smem:$0x3F9D];
	_ =	swait.ge [sflag:s4], $0x0  }
0x19: {  	s7 =	sld [smem:$0x3F9E]  }
0x1a: {  	s8 =	sadd.s32 $0xFFFFE003, lr  }
0x1b: {  	s9 =	sadd.s32 $0xFFFFFEF7, lr;
	s5 =	simm.s32 $0xFFFFFFFF;
	p2 =	slt.u32 s8, $0xFFFFF086  }
0x1c: {  	p1 =	slt.u32 s9, $0xF7A;
	s5 =	simm.s32 @!p2 $0x0  }
0x1d: {  	s5 =	simm.s32 @p1 $0x1;
	p0 =	seq.s32 s7, s2  }
0x1e: {  	s7 =	smul.u32 @!p0 $0xF7A, s2;
	p2 =	seq.s32 @!p0 s5, $0x0  }
0x1f: {  	s9 =	smul.u32 $0xF7A, s1;
	s8 =	simm.s32 @!p0 $0x1BF5;
	p2 =	por !p2, p0  }
0x20: {  	[sflag:s8] =	ssyncset.s32 @!p0 $0xFFFFF086;
	s6 =	sadd.s32 @!p0 s3, s7;
	s7 =	simm.s32 @!p0 $0x108  }
0x21: {  	s3 =	sadd.s32 s3, s9;
	s6 =	sadd.s32 @!p0 $0x88, s6;
	s7 =	simm.s32 @p2 $0x1082  }
0x22: {  	[simem:s7], [sflag:s8] =	dma.local @!p0 [hbm:s6], $0xF7A  }
0x23: {  	s9 =	sor.u32 $0xD0000000, s2;
	s6 =	simm.s32 $0x108;
	_ =	swait.ge @!p0 [sflag:s8], $0x0  }
0x24: {  	s3 =	sadd.s32 $0x88, s3;
	s6 =	simm.s32 @!p1 $0x1082;
	[sflag:s4] =	ssyncset.s32 $0xFFFFF086  }
0x25: {  	[simem:s6], [sflag:s4] =	dma.local [hbm:s3], $0xF7A  }
0x26: {  	[smem:$0x3F9E] =	sst s1;
	(tag) =	ssettag s2;
	_ =	strace s9  }
0x27: {  	s1 =	sld [smem:$0x3FAE]  }
0x28: {  	s2 =	sld [smem:$0x3FAF]  }
0x29: {  	s4 =	sld [smem:$0x3FB1]  }
0x2a: {  	p0 =	seq.s32 s5, $0x0;
	s5 =	sld [smem:$0x3FB2]  }
0x2b: {  	s6 =	sld [smem:$0x3FB3]  }
0x2c: {  	s7 =	sld [smem:$0x3FB4]  }
0x2d: {  	s3 =	simm.s32 $0x108;
	s8 =	sld [smem:$0x3FB5]  }
0x2e: {  	s3 =	simm.s32 @!p0 $0x1082;
	s9 =	sld [smem:$0x3FB6]  }
0x2f: {  	lr =	sadd.s32 s0, s3;
	s0 =	sld [smem:$0x3FAD]  }
0x30: {  	s3 =	sld [smem:$0x3FB0]  }
0x31: {  	[smem:$0x3FB9] =	sst s10  }
0x32: {  	s10 =	sld [smem:$0x3FB7];
	_ =	sdelay $0x3  }
0x33: {  	p0 =	seq.s32 s10, $0x1;
	s10 =	sld [smem:$0x3FB9];
	_ =	sdelay $0x3  }
0x34: {  	[smem:$0x3FB9] =	sst s10  }
0x35: {  	s10 =	sld [smem:$0x3FB8];
	_ =	sdelay $0x3  }
0x36: {  	p1 =	seq.s32 s10, $0x1;
	s10 =	sld [smem:$0x3FB9];
	_ =	sdelay $0x3  }
0x37: {  	[smem:$0x3FB9] =	sst s10  }
0x38: {  	s10 =	sld [smem:$0x3FBA]  }
0x39: {  	_ = 	snop;
	(pc) =	sbr.ind lr, $3  }
0x3a: {  	_ = 	snop  }
0x3b: {  	_ = 	snop  }
0x3c: {  	p2 =	seq.s32 s10, $0x1;
	s10 =	sld [smem:$0x3FB9]  }
0x3d: {  	_ =	shalt  }
0x3e: {  	_ =	shalt  }
0x3f: {  	_ =	shalt  }
0x40: {  	_ =	shalt  }
0x41: {  	_ =	shalt  }
0x42: {  	_ =	shalt  }
0x43: {  	_ =	shalt  }
0x44: {  	_ =	shalt  }
0x45: {  	_ =	shalt  }
0x46: {  	_ =	shalt  }
0x47: {  	_ =	shalt  }
0x48: {  	_ =	shalt  }
0x49: {  	_ =	shalt  }
0x4a: {  	_ =	shalt  }
0x4b: {  	_ =	shalt  }
0x4c: {  	_ =	shalt  }
0x4d: {  	_ =	shalt  }
0x4e: {  	_ =	shalt  }
0x4f: {  	_ =	shalt  }
0x50: {  	_ =	shalt  }
0x51: {  	_ =	shalt  }
0x52: {  	_ =	shalt  }
0x53: {  	_ =	shalt  }
0x54: {  	_ =	shalt  }
0x55: {  	_ =	shalt  }
0x56: {  	_ =	shalt  }
0x57: {  	_ =	shalt  }
0x58: {  	_ =	shalt  }
0x59: {  	_ =	shalt  }
0x5a: {  	_ =	shalt  }
0x5b: {  	_ =	shalt  }
0x5c: {  	_ =	shalt  }
0x5d: {  	_ =	shalt  }
0x5e: {  	_ =	shalt  }
0x5f: {  	_ =	shalt  }
0x60: {  	_ =	shalt  }
0x61: {  	_ =	shalt  }
0x62: {  	_ =	shalt  }
0x63: {  	_ =	shalt  }
0x64: {  	_ =	shalt  }
0x65: {  	_ =	shalt  }
0x66: {  	_ =	shalt  }
0x67: {  	_ =	shalt  }
0x68: {  	_ =	shalt  }
0x69: {  	_ =	shalt  }
0x6a: {  	_ =	shalt  }
0x6b: {  	_ =	shalt  }
0x6c: {  	_ =	shalt  }
0x6d: {  	_ =	shalt  }
0x6e: {  	_ =	shalt  }
0x6f: {  	_ =	shalt  }
0x70: {  	_ =	shalt  }
0x71: {  	_ =	shalt  }
0x72: {  	_ =	shalt  }
0x73: {  	_ =	shalt  }
0x74: {  	_ =	shalt  }
0x75: {  	_ =	shalt  }
0x76: {  	_ =	shalt  }
0x77: {  	_ =	shalt  }
0x78: {  	_ =	shalt  }
0x79: {  	_ =	shalt  }
0x7a: {  	_ =	shalt  }
0x7b: {  	_ =	shalt  }
0x7c: {  	_ =	shalt  }
0x7d: {  	_ =	shalt  }
0x7e: {  	_ =	shalt  }
0x7f: {  	_ =	shalt  }
0x80: {  	_ =	shalt  }
0x81: {  	_ =	shalt  }
0x82: {  	_ =	shalt  }
0x83: {  	_ =	shalt  }
0x84: {  	_ =	shalt  }
0x85: {  	_ =	shalt  }
0x86: {  	_ =	shalt  }
0x87: {  	_ =	shalt  }
.Lfunc_end0:
.L_simem_size_0:
called_computation_lowered:
.L_overlay_start_0:
0x88: {  	s2 =	sld [smem:$0x3FD9]  }
0x89: {  	s3 =	sld [smem:$0x3FFE];
	_ =	sdelay $0x1  }
0x8a: {  	s1 =	srdreg.scid  }
0x8b: {  	s0 =	sand.u32 $0x1, s1  }
0x8c: {  	s18 =	sshll.u32 s0, $0xA;
	s2 =	sadd.s32 s3, s2  }
0x8d: {  	s2 =	sadd.s32 s2, s18  }
0x8e: {  	[smem:$0x3FC5] =	sst s2  }
0x8f: {  	_ = 	snop  }
0x90: {  	s2 =	sld [smem:$0x3FC9]  }
0x91: {  	s19 =	sld [smem:$0x3FC8]  }
0x92: {  	s4 =	sld [smem:$0x3FC7]  }
0x93: {  	s5 =	sld [smem:$0x3FD0];
	(tm) =	ssettm $0x1  }
0x94: {  	s6 =	sld [smem:$0x3FFB];
	_ =	sdelay $0x3  }
0x95: {  	_ =	strace s6  }
0x96: {  	s6 =	sld [smem:$0x3FFC];
	_ =	sdelay $0x3  }
0x97: {  	_ =	strace s6  }
0x98: {  	s6 =	sld [smem:$0x3FFD];
	_ =	sdelay $0x3  }
0x99: {  	_ =	strace s6  }
0x9a: {  	_ =	strace $0x8FFFFFFF  }
0x9b: {  	s20 =	sld [smem:$0x3FDB];
	_ =	sdelay $0x1  }
0x9c: {  	s7 =	simm.s32 $_scs_section_size  }
0x9d: {  	s8 =	simm.s32 $_size__tile_overlayer_lowered;
	s9 =	simm.s32 $_tile_overlayer_lowered  }
0x9e: {  	s23 =	simm.s32 $0x1BFF;
	s22 =	sshll.u32 s9, $0x1;
	s6 =	sadd.s32 s7, s20  }
0x9f: {  	s10 =	simm.s32 $0x0;
	s21 =	sshll.u32 s8, $0x1;
	s8 =	sadd.s32 s22, s6  }
0xa0: {  	[timem:s10], [sflag:s23] =	dma.local [hbm:s8], s21  }
0xa1: {  	_ =	swait.ge [sflag:s23], s21  }
0xa2: {  	s7 =	ssub.s32 $0x0, s21;
	[sflag:s23] =	ssyncset.done $0x0  }
0xa3: {  	[sflag:s23] =	ssyncadd.s32 s7;
	_ =	sdelay $0x1  }
0xa4: {  	s24 =	simm.s32 $0x1B8B  }
0xa5: {  	_ =	swait.ge [sflag:s24], $0x1  }
0xa6: {  	[sflag:s24] =	ssyncset.done $0x0  }
0xa7: {  	s25 =	simm.s32 $0x1B8E;
	[sflag:s24] =	ssyncadd.s32 $0xFFFFFFFF  }
0xa8: {  	s26 =	simm.s32 $execute0_lowered;
	[smem:$0x3FD2] =	sst s25  }
0xa9: {  	s7 =	sshll.u32 s26, $0x1;
	_ =	strace $0x80000046;
	[dreg:$0x1] =	wrdreg $0xFFFFFFFF  }
0xaa: {  	s28 =	simm.s32 $_size_execute0_lowered;
	s6 =	sadd.s32 s6, s7;
	[dreg:$0x0] =	wrdreg $0x0  }
0xab: {  	s7 =	sshll.u32 s28, $0x1;
	[dreg:$0x2] =	wrdreg s6  }
0xac: {  	[dreg:$0x3] =	wrdreg s7  }
0xad: {  	[dreg:$0x4] =	wrdreg $0xC0  }
0xae: {  	_ =	task [dreg:s10], $0x5FFFF  }
0xaf: {  	[dreg:$0x1] =	wrdreg $0xFFFFFFFF  }
0xb0: {  	[dreg:$0x0] =	wrdreg $0x60  }
0xb1: {  	[dreg:$0x2] =	wrdreg s2  }
0xb2: {  	[dreg:$0x3] =	wrdreg s19  }
0xb3: {  	[dreg:$0x4] =	wrdreg s4  }
0xb4: {  	[dreg:$0x5] =	wrdreg s5  }
0xb5: {  	[dreg:$0x6] =	wrdreg $0x29800  }
0xb6: {  	[dreg:$0x7] =	wrdreg $0x9  }
0xb7: {  	_ =	task.clear_ibuf [dreg:s10], $0x8FFFF;
	_ =	strace $0x90000046  }
0xb8: {  	s29 =	simm.s32 $0x9;
	_ =	strace $0x80000048  }
0xb9: {  	_ =	swait.ge [sflag:s29], $0x1  }
0xba: {  	[sflag:s29] =	ssyncadd.s32 $0xFFFFFFFF  }
0xbb: {  	_ =	strace $0x90000048  }
0xbc: {  	_ =	sfence  }
0xbd: {  	s30 =	sld [smem:$0x0];
	_ =	sdelay $0x2  }
0xbe: {  	s31 =	sshll.u32 s1, $0xD;
	s1 =	sshrl.u32 s1, $0x2  }
0xbf: {  	s3 =	sand.u32 $0x4000, s31;
	s1 =	sadd.s32 s1, s30  }
0xc0: {  	s0 =	sor.u32 s3, s0;
	s1 =	sshll.u32 s1, $0x11  }
0xc1: {  	s0 =	sor.u32 s1, s0  }
0xc2: {  	s0 =	sadd.s32 $0x8F2B, s0  }
0xc3: {  	[sflag:s0] =	ssyncadd.remote.s32 $0x1  }
0xc4: {  	_ =	sfence.sel $0xFFFF  }
0xc5: {  	[dreg:$0x0] =	wrdreg $0xFFFFFFFF;
	(pc) =	sbr.abs _section_cstart, $3  }
0xc6: {  	[dreg:$0x1] =	wrdreg $0xFFFFFFFF  }
0xc7: {  	_ =	task.clear_ibuf [dreg:s10], $0x2FFFF;
	_ =	strace $0x9FFFFFFF  }
0xc8: {  	(tm) =	ssettm $0x7FFFFFFF  }
0xc9: {  	_ =	shalt  }
tec
execute0_lowered:
.L_overlay_start_1:
0x0: {  	(tag) =	ssettag $0x1  }
0x1: {  	s8 =	rddreg [dreg:$0x0]  }
0x2: {  	s9 =	rddreg [dreg:$0x1]  }
0x3: {  	s10 =	rddreg [dreg:$0x2]  }
0x4: {  	s11 =	rddreg [dreg:$0x3]  }
0x5: {  	s2 =	rddreg [dreg:$0x4];
	s3 =	simm.s32 $0x0  }
0x6: {  	s4 =	srdreg.scid;
	s0 =	stileid.u32;
	s16 =	simm.s32 $0x800  }
0x7: {  	s17 =	simm.s32 $0x1000;
	s18 =	simm.s32 $0x2900;
	s22 =	simm.s32 $0x2880  }
0x8: {  	s23 =	simm.s32 $0x2000;
	s24 =	simm.s32 $0x0;
	[smem:$0x7FF] =	sst s3  }
0x9: {  	v0 =	vimm.f32 $1.000000000e+10;
	s4 =	sand.u32 $0x1, s4;
	s12 =	sshrl.u32 s0, $0x3;
	s19 =	sand.u32 $0x7, s0  }
0xa: {  	v1 =	vlaneseq.u32;
	v2 =	vimm.s32 $0x1000;
	vm1 =	vcmask $0xB08;
	s20 =	sshll.u32 s0, $0x6;
	s5 =	sshll.u32 s4, $0x8;
	s6 =	sshll.u32 s12, $0x7  }
0xb: {  	v3 =	vimm.s32 $0xC0000000;
	vm0 =	vcmask $0x300;
	vm2 =	vcmask $0xF0C;
	s4 =	ssub.s32 $0x2, s4;
	s30 =	sshll.u32 s19, $0xD;
	_ =	strace $0x80000047  }
0xc: {  	vm3 =	vcmask $0x704;
	v5 =	vimm.s32 $0x55543210;
	v3 =	vsel vm0, $0x80000000, v3;
	s21 =	sshll.u32 s12, $0x9;
	p0 =	sne.s32 s19, $0x0;
	s7 =	sor.u32 s5, s6  }
0xd: {  	v2 =	vsel vm1, $0x0, v2;
	vm0 =	vmmov $0x1;
	v3 =	vsel vm3, $0x80000010, v3;
	s31 =	sshrl.u32 s4, $0x1;
	s21 =	sshrl.u32 s21, $0x2;
	s5 =	sor.u32 s30, s7  }
0xe: {  	v4 =	vand.u32 $0x7, v1;
	v5 =	vunpack.c.l.s4.s8 v5;
	v3 =	vsel vm1, $0x80000020, v3;
	s13 =	ssub.s32 s4, s31;
	s4 =	sshll.u32 s19, $0xB;
	s15 =	sshrl.u32 s7, $0x3  }
.Ltmp0:
0xf: {  	v2 =	vsel vm2, $0x800, v2;
	vm1 =	vcmask $0x1310;
	v6 =	vsel vm2, $0x80000030, v3;
	s19 =	sshrl.u32 s20, $0x2;
	s20 =	simm.s32 $0x2800;
	(pc) =	sbr.rel .LBB2_1-.Ltmp0, $4  }
0x10: {  	v3 =	vmul.u32 $0x10, v4;
	s14 =	sshrl.u32 s5, $0x3;
	s11 =	sadd.s32 s11, s15;
	s12 =	smax.u32 s13, $0x1;
	v4 =	vsel vm1, $0x80000040, v6;
	vm1 =	vcmask $0x1714  }
0x11: {  	v5 =	vunpack.c.0.s8.s32 v5;
	s13 =	simm.s32 $0x80;
	s5 =	sadd.s32 s8, s14;
	s6 =	sadd.s32 s9, s14;
	v4 =	vsel vm1, $0x80000050, v4;
	vm1 =	vcmask $0x1B18  }
0x12: {  	vm3 =	vcmask $0x1F00;
	vm2 =	vcmask $0x1F1C;
	s7 =	sadd.s32 s10, s14;
	s8 =	sadd.s32 s8, s15;
	s9 =	sadd.s32 s9, s15;
	v4 =	vsel vm1, $0x80000060, v4  }
0x13: {  	v5 =	vnsel vm3, $0x5, v5;
	s10 =	sadd.s32 s10, s15;
	s14 =	simm.s32 $0x200;
	s15 =	simm.s32 $0x1;
	vm1 =	vmmov $0xff;
	v4 =	vsel vm2, $0x80000070, v4  }
.LBB2_8:
0x14: {  	[hbm4b:s11+s13] =	stream.strided.scatter [tilespmem:s23], [sflag:$0x1], $0x800, s14, s13, $0x38;
	[tilespmem:$0x29A0] =	vst v63  }
0x15: {  	_ =	swait.ge [sflag:s15], $0x800  }
0x16: {  	[sflag:s15] =	ssyncset.done $0x0  }
0x17: {  	[sflag:s15] =	ssyncadd.s32 $0xFFFFF800  }
.LBB2_9:
0x18: {  	s24 =	sadd.s32 $0x1, s24  }
0x19: {  	p1 =	sne.s32 s24, s12  }
.Ltmp1:
0x1a: {  	_ = 	snop;
	(pc) =	sbr.rel @!p1 .LBB2_10-.Ltmp1, $1  }
0x1b: {  	_ =	sdelay $0x3  }
.LBB2_1:
0x1c: {  	[tilespmem:s3], [sflag:$0x1] =	stream.strided.gather [hbm4b:s5+s13], $0x800, s14, s13, $0x38;
	[tilespmem:$0x29A0] =	vst v63  }
0x1d: {  	_ =	swait.ge [sflag:s15], $0x800  }
0x1e: {  	[sflag:s15] =	ssyncset.done $0x0  }
0x1f: {  	[sflag:s15] =	ssyncadd.s32 $0xFFFFF800  }
0x20: {  	[tilespmem:s16], [sflag:$0x1] =	stream.strided.gather [hbm4b:s6+s13], $0x800, s14, s13, $0x38;
	[tilespmem:$0x29A0] =	vst v63  }
0x21: {  	_ =	swait.ge [sflag:s15], $0x800  }
0x22: {  	[sflag:s15] =	ssyncset.done $0x0  }
0x23: {  	[sflag:s15] =	ssyncadd.s32 $0xFFFFF800  }
0x24: {  	[tilespmem:s17], [sflag:$0x1] =	stream.strided.gather [hbm4b:s7+s13], $0x800, s14, s13, $0x38;
	[tilespmem:$0x29A0] =	vst v63  }
0x25: {  	_ =	swait.ge [sflag:s15], $0x800  }
0x26: {  	[sflag:s15] =	ssyncset.done $0x0  }
0x27: {  	[sflag:s15] =	ssyncadd.s32 $0xFFFFF800  }
0x28: {  	[tilespmem:s18], [sflag:$0x1] =	stream.linear.gather [hbm4b:s8+s3], $0x10, $0x38;
	[tilespmem:$0x29A0] =	vst v63  }
0x29: {  	_ =	swait.ge [sflag:s15], $0x10  }
0x2a: {  	[sflag:s15] =	ssyncset.done $0x0  }
0x2b: {  	[sflag:s15] =	ssyncadd.s32 $0xFFFFFFF0  }
0x2c: {  	v6 =	vld [tilespmem:$0x2900];
	[tilespmem:s18], [sflag:$0x1] =	stream.linear.gather [hbm4b:s9+s3], $0x10, $0x38  }
0x2d: {  	_ =	swait.ge [sflag:s15], $0x10  }
0x2e: {  	[sflag:s15] =	ssyncset.done $0x0  }
0x2f: {  	[sflag:s15] =	ssyncadd.s32 $0xFFFFFFF0  }
0x30: {  	v7 =	vld [tilespmem:$0x2900];
	[tilespmem:s18], [sflag:$0x1] =	stream.linear.gather [hbm4b:s10+s3], $0x10, $0x38  }
0x31: {  	_ =	swait.ge [sflag:s15], $0x10  }
0x32: {  	[sflag:s15] =	ssyncset.done $0x0  }
0x33: {  	[sflag:s15] =	ssyncadd.s32 $0xFFFFFFF0  }
0x34: {  	s25 =	simm.s32 $0x40;
	s28 =	simm.s32 $0x0;
	v8 =	vld [tilespmem:$0x2900]  }
.LBB2_2:
0x35: {  	p1 =	sne.s32 s25, $0x1FC0;
	[tilespmem:s28+$0x1800] =	vst v0;
	s26 =	smov.u32 s25;
	s25 =	sadd.s32 $0x40, s25  }
.Ltmp2:
0x36: {  	(pc) =	sbr.rel @p1 .LBB2_2-.Ltmp2, $2  }
0x37: {  	_ =	sdelay $0x2  }
0x38: {  	s28 =	sshra.s32 s26, $0x2  }
0x39: {  	(v2sf) =	vpush v6, $0x0  }
0x3a: {  	(v2sf) =	vpush v7, $0x0  }
0x3b: {  	(v2sf) =	vpush v8, $0x0;
	_ =	sdelay $0x9  }
0x3c: {  	v6 =	vimm.s32 @!p0 $0x0  }
.Ltmp3:
0x3d: {  	_ = 	snop;
	(pc) =	sbr.rel .LBB2_4-.Ltmp3, $4  }
0x3e: {  	_ = 	snop  }
0x3f: {  	s26 =	spop (v2sf)  }
0x40: {  	[tilespmem:s28+$0x1800] =	vst v0;
	s25 =	simm.s32 @!p0 $0x2000;
	s28 =	spop (v2sf)  }
0x41: {  	[tilespmem:v6+s25+$0x0] =	vst.idx.msk @!p0 $0x1, v6;
	s25 =	simm.s32 $0x1;
	s30 =	spop (v2sf)  }
.LBB2_7:
0x42: {  	(v2sf) =	vpush v6, $0x1;
	_ =	sdelay $0x1  }
0x43: {  	(v2sf) =	vpush v6, $0x2  }
0x44: {  	(v2sf) =	vpush v6, $0x3  }
0x45: {  	(v2sf) =	vpush v6, $0x4;
	_ =	sdelay $0x8  }
0x46: {  	v6 =	vmov s25;
	s25 =	sadd.s32 $0x1, s25  }
0x47: {  	p1 =	seq.s32 s25, $0x800  }
.Ltmp4:
0x48: {  	s0 =	spop (v2sf);
	(pc) =	sbr.rel @p1 .LBB2_8-.Ltmp4, $4  }
0x49: {  	s0 =	scvt.f32.s32 s0  }
0x4a: {  	s26 =	spop (v2sf)  }
0x4b: {  	s28 =	spop (v2sf);
	v7 =	vmov s0  }
0x4c: {  	s30 =	spop (v2sf);
	[tilespmem:v6+s23+$0x0] =	vst.idx.msk $0x1, v7  }
.LBB2_4:
0x4d: {  	s31 =	simm.s32 $0x820  }
0x4e: {  	v9 =	vld [tilespmem:s31+$0x810]  }
0x4f: {  	v10 =	vld [tilespmem:s31+$0xFFFFF810]  }
0x50: {  	v11 =	vld [tilespmem:s31+$0x10]  }
0x51: {  	s29 =	simm.s32 $0x0;
	v12 =	vld [tilespmem:s31+$0x800]  }
0x52: {  	v13 =	vld [tilespmem:s31+$0xFFFFF7E0];
	s0 =	sand.u32 $0x7C0, s29  }
0x53: {  	v14 =	vld [tilespmem:s0+$0x800]  }
0x54: {  	v15 =	vld [tilespmem:s31+$0xFFFFF800]  }
0x55: {  	v16 =	vld [tilespmem:s0+$0x1000]  }
0x56: {  	v6 =	vmov s26;
	v7 =	vmov s30;
	v17 =	vld [tilespmem:s31+$0xFFFFF7F0]  }
0x57: {  	v8 =	vmov s28;
	v18 =	vimm.f32 $-1.000000000e+00;
	v19 =	vld [tilespmem:s31+$0xFFFFFFF0];
	v9 =	vsub.f32 v9, v7  }
0x58: {  	v21 =	vimm.s32 $0x40000000;
	s28 =	sadd.s32 $0x0, s4;
	v20 =	vld [tilespmem:s31+$0x7F0];
	v13 =	vsub.f32 v13, v6;
	v14 =	vsub.f32 v14, v8  }
0x59: {  	v22 =	vor.u32 s28, v1;
	v23 =	vsub.f32 v10, v6;
	v11 =	vsub.f32 v11, v8  }
0x5a: {  	s26 =	simm.s32 $0x1820;
	v24 =	vld [tilespmem:s31+$0x0];
	v16 =	vsub.f32 v16, v7;
	v13 =	vmul.f32 v13, v13;
	v14 =	vmul.f32 v14, v14  }
0x5b: {  	v25 =	vld [tilespmem:s26+$0xFFFFFFE0];
	vm3 =	vlt.s32 v22, v21;
	v17 =	vsub.f32 v17, v6;
	v26 =	vsub.f32 v12, v7  }
0x5c: {  	s1 =	sadd.s32 $0x20, s28;
	v13 =	vadd.f32 v14, v13;
	v14 =	vmul.f32 v16, v16;
	v16 =	vsub.f32 v19, v8  }
0x5d: {  	v10 =	vor.u32 s1, v1;
	v15 =	vsub.f32 v15, v6;
	v19 =	vsub.f32 v20, v7  }
0x5e: {  	s1 =	sadd.s32 $0x10, s28;
	v13 =	vadd.f32 v14, v13;
	v14 =	vmul.f32 v17, v17;
	v16 =	vmul.f32 v16, v16  }
0x5f: {  	v27 =	vld [tilespmem:s26+$0xFFFFFFF0];
	v12 =	vor.u32 s1, v1;
	v20 =	vmul.f32 v15, v15;
	v17 =	vsub.f32 v24, v8  }
0x60: {  	v13 =	vmin.f32 v25, v13;
	v14 =	vadd.f32 v16, v14;
	v16 =	vmul.f32 v19, v19  }
0x61: {  	v15 =	vmul.f32 v23, v23;
	v17 =	vmul.f32 v17, v17;
	vm2 =	veq.f32 v13, v18  }
0x62: {  	vm4 =	vgt.f32 v13, v18;
	vm2 =	vmand vm3, vm2;
	v14 =	vadd.f32 v16, v14  }
0x63: {  	v19 =	vadd.f32 v17, v20;
	v20 =	vmul.f32 v26, v26;
	v16 =	vld [tilespmem:s26+$0x0];
	vm2 =	vmor vm4, vm2  }
0x64: {  	s30 =	simm.s32 $0x0;
	s31 =	simm.s32 $0x860;
	[tilespmem:s26+$0xFFFFFFE0] =	vst v13;
	v17 =	vsel vm2, v13, v18;
	v18 =	vsel vm2, v22, v21;
	v14 =	vmin.f32 v27, v14;
	v13 =	vld [tilespmem:s26+$0x10]  }
.LBB2_5:
0x65: {  	v21 =	vld [tilespmem:s31+$0x810];
	[tilespmem:s26+$0xFFFFFFF0] =	vst v14;
	vm2 =	veq.f32 v14, v17;
	vm3 =	vlt.s32 v12, v18;
	v11 =	vmul.f32 v11, v11  }
0x66: {  	vm4 =	vgt.f32 v14, v17;
	v19 =	vadd.f32 v20, v19;
	v22 =	vld [tilespmem:s31+$0xFFFFF810];
	vm2 =	vmand vm3, vm2  }
0x67: {  	v9 =	vmul.f32 v9, v9;
	v20 =	vld [tilespmem:s31+$0x10];
	vm2 =	vmor vm4, vm2;
	v11 =	vadd.f32 v11, v15  }
0x68: {  	s29 =	sadd.s32 $0x40, s29;
	v15 =	vld [tilespmem:s31+$0x800];
	v14 =	vsel vm2, v14, v17;
	v12 =	vsel vm2, v12, v18;
	v16 =	vmin.f32 v16, v19  }
0x69: {  	s30 =	sadd.s32 $0x4, s30;
	s0 =	sand.u32 $0x7C0, s29;
	v17 =	vld [tilespmem:s31+$0xFFFFF7E0];
	[tilespmem:s26+$0x0] =	vst v16;
	vm2 =	veq.f32 v16, v14;
	vm3 =	vlt.s32 v10, v12  }
0x6a: {  	s1 =	sadd.s32 $0x30, s28;
	p1 =	slt.u32 s30, $0x7C;
	s28 =	sadd.s32 s29, s4;
	vm4 =	vgt.f32 v16, v14;
	v9 =	vadd.f32 v9, v11;
	v18 =	vld [tilespmem:s0+$0x800];
	vm2 =	vmand vm3, vm2  }
0x6b: {  	v24 =	vor.u32 s1, v1;
	v23 =	vor.u32 s28, v1;
	v19 =	vld [tilespmem:s31+$0xFFFFF800];
	vm2 =	vmor vm4, vm2  }
0x6c: {  	v25 =	vld [tilespmem:s0+$0x1000];
	v14 =	vsel vm2, v16, v14;
	v10 =	vsel vm2, v10, v12;
	v12 =	vmin.f32 v13, v9  }
0x6d: {  	v9 =	vsub.f32 v21, v7;
	v13 =	vld [tilespmem:s31+$0xFFFFF7F0];
	[tilespmem:s26+$0x10] =	vst v12;
	vm2 =	veq.f32 v12, v14;
	vm3 =	vlt.s32 v24, v10  }
0x6e: {  	v21 =	vsub.f32 v22, v6;
	vm4 =	vgt.f32 v12, v14;
	v16 =	vld [tilespmem:s31+$0xFFFFFFF0];
	vm2 =	vmand vm3, vm2  }
0x6f: {  	v17 =	vsub.f32 v17, v6;
	v18 =	vsub.f32 v18, v8;
	v22 =	vld [tilespmem:s31+$0x7F0];
	vm2 =	vmor vm4, vm2  }
0x70: {  	v11 =	vsub.f32 v20, v8;
	v14 =	vsel vm2, v12, v14;
	v24 =	vsel vm2, v24, v10  }
0x71: {  	s0 =	sadd.s32 $0x20, s28;
	s26 =	sadd.s32 $0x40, s26;
	v17 =	vmul.f32 v17, v17;
	v12 =	vsub.f32 v25, v7;
	v18 =	vmul.f32 v18, v18;
	v20 =	vld [tilespmem:s31+$0x0]  }
0x72: {  	v26 =	vsub.f32 v15, v7;
	v10 =	vor.u32 s0, v1;
	v25 =	vld [tilespmem:s26+$0xFFFFFFE0];
	v13 =	vsub.f32 v13, v6  }
0x73: {  	s0 =	sadd.s32 $0x10, s28;
	v15 =	vadd.f32 v18, v17;
	v17 =	vmul.f32 v12, v12;
	v16 =	vsub.f32 v16, v8  }
0x74: {  	v19 =	vsub.f32 v19, v6;
	v12 =	vor.u32 s0, v1;
	v18 =	vsub.f32 v22, v7  }
0x75: {  	v13 =	vmul.f32 v13, v13;
	v17 =	vadd.f32 v17, v15;
	v16 =	vmul.f32 v16, v16  }
0x76: {  	v19 =	vmul.f32 v19, v19;
	v15 =	vmul.f32 v21, v21;
	v22 =	vld [tilespmem:s26+$0xFFFFFFF0];
	v20 =	vsub.f32 v20, v8  }
.Ltmp5:
0x77: {  	v17 =	vmin.f32 v25, v17;
	v13 =	vadd.f32 v16, v13;
	v16 =	vmul.f32 v18, v18;
	(pc) =	sbr.rel @p1 .LBB2_5-.Ltmp5, $4  }
0x78: {  	vm3 =	vlt.s32 v23, v24;
	[tilespmem:s26+$0xFFFFFFE0] =	vst v17;
	vm2 =	veq.f32 v17, v14;
	v18 =	vmul.f32 v20, v20  }
0x79: {  	vm4 =	vgt.f32 v17, v14;
	vm2 =	vmand vm3, vm2;
	v13 =	vadd.f32 v16, v13  }
0x7a: {  	v20 =	vmul.f32 v26, v26;
	vm2 =	vmor vm4, vm2;
	v19 =	vadd.f32 v18, v19;
	v16 =	vld [tilespmem:s26+$0x0]  }
0x7b: {  	s31 =	sadd.s32 $0x40, s31;
	v17 =	vsel vm2, v17, v14;
	v18 =	vsel vm2, v23, v24;
	v14 =	vmin.f32 v22, v13;
	v13 =	vld [tilespmem:s26+$0x10]  }
0x7c: {  	vm2 =	veq.f32 v14, v17;
	vm3 =	vlt.s32 v12, v18;
	v6 =	vmul.f32 v11, v11  }
0x7d: {  	vm4 =	vgt.f32 v14, v17;
	v7 =	vadd.f32 v20, v19;
	vm2 =	vmand vm3, vm2  }
0x7e: {  	v8 =	vmul.f32 v9, v9;
	vm2 =	vmor vm4, vm2;
	v6 =	vadd.f32 v6, v15  }
0x7f: {  	v60 =	vsel vm2, v14, v17;
	v61 =	vsel vm2, v12, v18;
	v7 =	vmin.f32 v16, v7  }
0x80: {  	vm2 =	veq.f32 v7, v60;
	vm3 =	vlt.s32 v10, v61  }
0x81: {  	s0 =	sadd.s32 $0x30, s28;
	vm14 =	vgt.f32 v7, v60;
	v6 =	vadd.f32 v8, v6;
	vm2 =	vmand vm3, vm2  }
0x82: {  	v8 =	vor.u32 s0, v1;
	vm2 =	vmor vm14, vm2  }
0x83: {  	v6 =	vmin.f32 v13, v6;
	v9 =	vsel vm2, v7, v60;
	v62 =	vsel vm2, v10, v61  }
0x84: {  	vm2 =	veq.f32 v6, v9;
	vm3 =	vlt.s32 v8, v62  }
0x85: {  	vm15 =	vgt.f32 v6, v9;
	vm2 =	vmand vm3, vm2  }
0x86: {  	vm2 =	vmor vm15, vm2  }
0x87: {  	v9 =	vsel vm2, v6, v9  }
0x88: {  	(xrf0) =	vmax.scan.msk.f32 $0xffff, v9;
	_ =	sdelay $0x5  }
0x89: {  	v63, _, _ =	vpop (xrf0)  }
0x8a: {  	v11 =	vbroadcast v63, $0xF  }
0x8b: {  	v8 =	vsel vm2, v8, v62  }
0x8c: {  	v8 =	vxor.u32 $0x80000000, v8;
	vm2 =	veq.f32 v9, v11  }
0x8d: {  	v8 =	vnsel vm2, $0xC0000000, v8  }
0x8e: {  	(xrf0) =	vmin.scan.msk.u32 $0xffff, v8;
	_ =	sdelay $0x5  }
0x8f: {  	v8, _, _ =	vpop (xrf0)  }
0x90: {  	(v2sf) =	vpush v8, $0xF;
	_ =	sdelay $0xe  }
0x91: {  	s1 =	spop (v2sf)  }
0x92: {  	s0 =	sxor.u32 $0x80000000, s1  }
0x93: {  	s1 =	ssub.s32 s0, s4  }
0x94: {  	v8 =	vadd.s32 s1, v2;
	_ =	sdelay $0x1  }
0x95: {  	[tilespmem:s26+$0xFFFFFFF0] =	vst v14  }
0x96: {  	[tilespmem:s26+$0x0] =	vst v7  }
0x97: {  	[tilespmem:s26+$0x10] =	vst v6  }
0x98: {  	v6 =	vld.idx.msk [tilespmem:v8+s3+$0x0], $0xffff;
	_ =	sdelay $0x2  }
0x99: {  	s0 =	scvt.s32.f32 s0  }
0x9a: {  	s28 =	sshll.u32 s25, $0x8;
	vm2 =	veq.s32 v1, $0x1  }
0x9b: {  	s29 =	sand.u32 $0x100, s28;
	v6 =	vsel vm2, s0, v6  }
0x9c: {  	s0 =	sadd.s32 s29, s2;
	v6 =	vsel vm0, v11, v6  }
0x9d: {  	s30 =	sadd.s32 s19, s0;
	[tilespmem:$0x2800] =	vst v6  }
0x9e: {  	[spmem:s30] =	stream.linear.scatter [tilespmem:s20], [sflag:$0x1], $0x10, $0x38;
	[tilespmem:$0x29A0] =	vst v63  }
0x9f: {  	_ =	swait.ge [sflag:s15], $0x10  }
0xa0: {  	[sflag:s15] =	ssyncset.done $0x0  }
0xa1: {  	[sflag:s15] =	ssyncadd.s32 $0xFFFFFFF0  }
0xa2: {  	s0 =	sadd.s32 s21, s0;
	[bflag:$0x0] =	sbarrier.arrive $0xFFFF  }
0xa3: {  	[tilespmem:s22], [sflag:$0x1] =	stream.linear.gather [spmem:s0], $0x80, $0x38;
	[tilespmem:$0x29A0] =	vst v63  }
0xa4: {  	_ =	swait.ge [sflag:s15], $0x80  }
0xa5: {  	[sflag:s15] =	ssyncset.done $0x0  }
0xa6: {  	[sflag:s15] =	ssyncadd.s32 $0xFFFFFF80  }
0xa7: {  	v6 =	vld.idx.msk [tilespmem:v3+s22+$0x0], $0xffff;
	_ =	sdelay $0x4  }
0xa8: {  	v7 =	vnsel vm1, $0xBF800000, v6  }
0xa9: {  	(xrf0) =	vmax.scan.msk.f32 $0xffff, v7;
	_ =	sdelay $0x5  }
0xaa: {  	v7, _, _ =	vpop (xrf0)  }
0xab: {  	v7 =	vbroadcast v7, $0xF;
	_ =	sdelay $0x1  }
0xac: {  	vm2 =	veq.f32 v6, v7  }
0xad: {  	v6 =	vnsel vm2, $0xC0000000, v4  }
0xae: {  	(xrf0) =	vmin.scan.msk.u32 $0xffff, v6;
	_ =	sdelay $0x5  }
0xaf: {  	v6, _, _ =	vpop (xrf0)  }
0xb0: {  	(v2sf) =	vpush v6, $0xF;
	_ =	sdelay $0xe  }
0xb1: {  	s31 =	spop (v2sf)  }
0xb2: {  	s0 =	sxor.u32 $0x80000000, s31  }
0xb3: {  	v6 =	vadd.s32 s0, v5;
	_ =	sdelay $0x4  }
.Ltmp6:
0xb4: {  	v6 =	vld.idx.msk [tilespmem:v6+s22+$0x0], $0xffff;
	(pc) =	sbr.rel @!p0 .LBB2_7-.Ltmp6, $1  }
0xb5: {  	_ =	sdelay $0x3  }
0xb6: {  	(v2sf) =	vpush v6, $0x2  }
0xb7: {  	(v2sf) =	vpush v6, $0x3  }
0xb8: {  	(v2sf) =	vpush v6, $0x4;
	_ =	sdelay $0x8  }
0xb9: {  	s25 =	sadd.s32 $0x1, s25  }
0xba: {  	p1 =	seq.s32 s25, $0x800  }
.Ltmp7:
0xbb: {  	_ = 	snop;
	(pc) =	sbr.rel @!p1 .LBB2_4-.Ltmp7, $4  }
.Ltmp8:
0xbc: {  	_ = 	snop;
	(pc) =	sbr.rel @p1 .LBB2_9-.Ltmp8, $4  }
0xbd: {  	s26 =	spop (v2sf)  }
0xbe: {  	s28 =	spop (v2sf)  }
0xbf: {  	s30 =	spop (v2sf)  }
0xc0: {  	_ = 	snop  }
.LBB2_10:
0xc1: {  	_ =	sfence.sel $0x180000  }
0xc2: {  	[bflag:$0x0] =	sbarrier.arrive $0xFFFF  }
0xc3: {  	_ =	strace $0x90000047  }
0xc4: {  	s0 =	stileid.u32;
	[bflag:$0x2] =	sbarrier.arrive $0xFFFF  }
0xc5: {  	p0 =	sne.s32 s0, $0x0;
	s0 =	rddreg [dreg:$0x5]  }
0xc6: {  	s0 =	sadd.s32 @!p0 $0x100000, s0  }
0xc7: {  	[sflag:s0] =	ssyncadd.tile.s32 @!p0 $0x1;
	_ =	shalt  }
.Lfunc_end2:
_tile_overlayer_lowered:
.L_overlay_start_2:
0xc8: {  	(tag) =	ssettag $0x2  }
0xc9: {  	s0 =	rddreg [dreg:$0x0];
	s2 =	stileid.u32  }
0xca: {  	s1 =	rddreg [dreg:$0x1];
	p0 =	sne.s32 s2, $0x0  }
0xcb: {  	s3 =	rddreg [dreg:$0x2];
	[bflag:$0x3] =	sbarrier.arrive $0xFFFF;
	s2 =	simm.s32 @!p0 $0x1C01  }
0xcc: {  	[timem:s3], [sflag:s2] =	dma.local @!p0 [hbm:s0], s1  }
0xcd: {  	s0 =	simm.s32 @!p0 $0x1  }
0xce: {  	_ =	swait.ge @!p0 [sflag:s0], s1  }
0xcf: {  	s1 =	ssub.s32 @!p0 $0x0, s1;
	[sflag:s0] =	ssyncset.done @!p0 $0x0  }
0xd0: {  	[sflag:s0] =	ssyncadd.s32 @!p0 s1  }
0xd1: {  	[bflag:$0x3] =	sbarrier.arrive $0xFFFF  }
0xd2: {  	_ =	shalt  }

</sc_bundles>
